<compile_context>
chip_gen: v7x
topology: tpu7x:2x2x1
jax: 0.10.2.dev20260603
libtpu: 0.0.44.dev20260713+nightly
codegen_flags: <defaults>
</compile_context>

<pallas_src>
import functools

import jax
import jax.numpy as jnp
from jax import lax
from jax.experimental import pallas as pl
from jax.experimental.pallas import tpu as pltpu
from jax.experimental.pallas import tpu_sc as plsc

N = 10000
E = 320000
D = 128
DH = D // 2
NC, NS = 2, 16
NW = NC * NS
EPW = E // NW
EPT = E // NS
K = 80
NBA = EPW // K
NBC = EPT // K
NP = 10240
RPT = NP // NS
RB = 1000
GRID = N // RB

_mesh = plsc.VectorSubcoreMesh(core_axis_name="c", subcore_axis_name="s")
_sc_params = pltpu.CompilerParams(use_tc_tiling_on_sc=False)


def _zero_vec(ref, nwords):
    z = jnp.zeros((16,), jnp.float32)

    def body(i, carry):
        ref[pl.ds(i * 16, 16)] = z
        return carry

    lax.fori_loop(0, nwords // 16, body, 0)


def _zero_rows(ref, nrows, ncols):
    z = jnp.zeros((16,), jnp.float32)

    def body(i, carry):
        for jj in range(ncols // 16):
            ref[i, pl.ds(jj * 16, 16)] = z
        return carry

    lax.fori_loop(0, nrows, body, 0)


def _deg_body(dst_hbm, deg_hbm, idx_v, ones_v, buf_v, deg_sh, sem):
    c = lax.axis_index("c")
    s = lax.axis_index("s")
    wid = s * NC + c

    pltpu.async_copy(dst_hbm.at[wid], idx_v, sem)
    for jj in range(K // 16):
        ones_v[pl.ds(jj * 16, 16)] = jnp.full((16,), 1.0, jnp.float32)

    @pl.when(s == 0)
    def _():
        _zero_vec(buf_v, N)
        pltpu.sync_copy(buf_v, deg_sh)

    plsc.subcore_barrier()
    pltpu.make_async_copy(dst_hbm.at[wid], idx_v, sem).wait()

    def body(i, carry):
        @pl.when(i < NBA)
        def _():
            pltpu.async_copy(ones_v, deg_sh.at[idx_v.at[i]], sem, add=True)

        @pl.when(i >= 8)
        def _():
            pltpu.make_async_copy(ones_v, deg_sh.at[idx_v.at[0]], sem).wait()

        return carry

    lax.fori_loop(0, NBA + 8, body, 0)
    plsc.subcore_barrier()

    @pl.when(s == 0)
    def _():
        pltpu.sync_copy(deg_sh, buf_v)
        pltpu.sync_copy(buf_v, deg_hbm.at[pl.ds(c * N, N)])


_deg_call = functools.partial(
    pl.kernel,
    out_type=jax.ShapeDtypeStruct((NC * N,), jnp.float32),
    mesh=_mesh,
    compiler_params=_sc_params,
    scratch_types=[
        pltpu.VMEM((NBA, K), jnp.int32),
        pltpu.VMEM((K,), jnp.float32),
        pltpu.VMEM((N,), jnp.float32),
        pltpu.VMEM_SHARED((N,), jnp.float32),
        pltpu.SemaphoreType.DMA,
    ],
)(_deg_body)


def _msg_body(g_hbm, src_hbm, dst_hbm, acc_hbm,
              srcv, dstv, r0, r1, r2, r3, zb_v, acc_sh,
              g0, g1, g2, g3, s0, s1, s2, s3):
    c = lax.axis_index("c")
    s = lax.axis_index("s")
    rows = [r0, r1, r2, r3]
    gsem = [g0, g1, g2, g3]
    ssem = [s0, s1, s2, s3]

    pltpu.async_copy(src_hbm.at[s], srcv, g0)
    pltpu.async_copy(dst_hbm.at[s], dstv, g1)

    _zero_rows(zb_v, RPT // 5, DH)
    for r in range(5):
        pltpu.sync_copy(zb_v, acc_sh.at[pl.ds(s * RPT + r * (RPT // 5), RPT // 5)])

    pltpu.make_async_copy(src_hbm.at[s], srcv, g0).wait()
    pltpu.make_async_copy(dst_hbm.at[s], dstv, g1).wait()
    plsc.subcore_barrier()

    gh = g_hbm.at[c]

    def start_gather(i, b):
        pltpu.async_copy(gh.at[srcv.at[i]], rows[b], gsem[b])

    def wait_gather(i, b):
        pltpu.make_async_copy(gh.at[srcv.at[i]], rows[b], gsem[b]).wait()

    def start_scat(i, b):
        pltpu.async_copy(rows[b], acc_sh.at[dstv.at[i]], ssem[b], add=True)

    def wait_scat(i, b):
        pltpu.make_async_copy(rows[b], acc_sh.at[dstv.at[i]], ssem[b]).wait()

    start_gather(0, 0)
    start_gather(1, 1)
    wait_gather(0, 0)
    start_scat(0, 0)
    start_gather(2, 2)
    wait_gather(1, 1)
    start_scat(1, 1)
    start_gather(3, 3)

    def body(q, carry):
        i_base = 2 + 4 * q
        for r in range(4):
            i = i_base + r
            b = (2 + r) % 4
            wait_gather(i, b)
            start_scat(i, b)
            wait_scat(i - 2, r)
            start_gather(i + 2, r)
        return carry

    lax.fori_loop(0, (NBC - 6) // 4, body, 0)

    for r in range(4):
        i = NBC - 4 + r
        b = (2 + r) % 4
        wait_gather(i, b)
        start_scat(i, b)
        wait_scat(i - 2, r)
        if r < 2:
            start_gather(i + 2, r)
    wait_scat(NBC - 2, 0)
    wait_scat(NBC - 1, 1)

    plsc.subcore_barrier()
    pltpu.sync_copy(acc_sh.at[pl.ds(s * RPT, RPT)],
                    acc_hbm.at[c, pl.ds(s * RPT, RPT)])


_msg_call = functools.partial(
    pl.kernel,
    out_type=jax.ShapeDtypeStruct((NC, NP, DH), jnp.float32),
    mesh=_mesh,
    compiler_params=_sc_params,
    scratch_types=[
        pltpu.VMEM((NBC, K), jnp.int32),
        pltpu.VMEM((NBC, K), jnp.int32),
        pltpu.VMEM((K, DH), jnp.float32),
        pltpu.VMEM((K, DH), jnp.float32),
        pltpu.VMEM((K, DH), jnp.float32),
        pltpu.VMEM((K, DH), jnp.float32),
        pltpu.VMEM((RPT // 5, DH), jnp.float32),
        pltpu.VMEM_SHARED((NP, DH), jnp.float32),
        pltpu.SemaphoreType.DMA,
        pltpu.SemaphoreType.DMA,
        pltpu.SemaphoreType.DMA,
        pltpu.SemaphoreType.DMA,
        pltpu.SemaphoreType.DMA,
        pltpu.SemaphoreType.DMA,
        pltpu.SemaphoreType.DMA,
        pltpu.SemaphoreType.DMA,
    ],
)(_msg_body)


def _g_body(x_ref, w_ref, deg_ref, g_ref):
    dp = deg_ref[...]
    dis = lax.rsqrt(dp[0] + dp[1] + 1.0)
    h = jnp.dot(x_ref[...], w_ref[...], preferred_element_type=jnp.float32)
    h = h * dis
    g_ref[0, :, :] = h[:, :DH]
    g_ref[1, :, :] = h[:, DH:]


def _g_call(x, w, deg3):
    return pl.pallas_call(
        _g_body,
        grid=(GRID,),
        in_specs=[
            pl.BlockSpec((RB, D), lambda i: (i, 0)),
            pl.BlockSpec((D, D), lambda i: (0, 0)),
            pl.BlockSpec((NC, RB, 1), lambda i: (0, i, 0)),
        ],
        out_specs=pl.BlockSpec((NC, RB, DH), lambda i: (0, i, 0)),
        out_shape=jax.ShapeDtypeStruct((NC, N, DH), jnp.float32),
    )(x, w, deg3)


def _out_body(acc_ref, g_ref, x_ref, deg_ref, wt_ref, b_ref, o_ref):
    dp = deg_ref[...]
    dis = lax.rsqrt(dp[0] + dp[1] + 1.0)
    t = (acc_ref[...] + g_ref[...]) * dis[None] + b_ref[...]
    r = jnp.maximum(t, 0.0)
    r2 = jnp.concatenate([r[0], r[1]], axis=1)
    y = jnp.dot(r2, wt_ref[...], preferred_element_type=jnp.float32) + x_ref[...]
    o_ref[...] = jnp.maximum(y, 0.0)


def _out_call(acc, g, x, deg3, ln_wt, bias3):
    return pl.pallas_call(
        _out_body,
        grid=(GRID,),
        in_specs=[
            pl.BlockSpec((NC, RB, DH), lambda i: (0, i, 0)),
            pl.BlockSpec((NC, RB, DH), lambda i: (0, i, 0)),
            pl.BlockSpec((RB, D), lambda i: (i, 0)),
            pl.BlockSpec((NC, RB, 1), lambda i: (0, i, 0)),
            pl.BlockSpec((D, D), lambda i: (0, 0)),
            pl.BlockSpec((NC, 1, DH), lambda i: (0, 0, 0)),
        ],
        out_specs=pl.BlockSpec((RB, D), lambda i: (i, 0)),
        out_shape=jax.ShapeDtypeStruct((N, D), jnp.float32),
    )(acc, g, x, deg3, ln_wt, bias3)


def kernel(x, edge_index, gcn_weight, gcn_bias, ln_weight):
    src = edge_index[0].astype(jnp.int32)
    dst = edge_index[1].astype(jnp.int32)
    dst_a = dst.reshape(NW, NBA, K)
    src_c = src.reshape(NS, NBC, K)
    dst_c = dst.reshape(NS, NBC, K)
    deg = _deg_call(dst_a)
    deg3 = deg.reshape(NC, N, 1)
    g = _g_call(x, gcn_weight, deg3)
    acc = _msg_call(g, src_c, dst_c)
    return _out_call(acc, g, x, deg3,
                     ln_weight.T, gcn_bias.reshape(NC, 1, DH))

# --- scband reference (transcript-rebuilt; emitter-appended) ---
"""Pipeline reference for scband-residual-block-22746146799804 (READ-ONLY COPY).

The authoritative reference and input builder live on the scoring server;
editing this copy changes nothing except your own understanding.
"""

import jax, jax.numpy as jnp
import numpy as np

N_NODES = 10000
N_EDGES = 320000
D = 128

def setup_inputs(seed: int = 0) -> dict:
    key = jax.random.key(seed)
    k1, k2, k3, k4, k5 = jax.random.split(key, 5)
    x = jax.random.normal(k1, (N_NODES, D), dtype=jnp.float32)
    edge_index = jax.random.randint(k2, (2, N_EDGES), 0, N_NODES, dtype=jnp.int64)
    # GCNConv weight [in, out] (xavier) and bias [out]
    limit = float(np.sqrt(6.0 / (D + D)))
    gcn_weight = jax.random.uniform(k3, (D, D), minval=-limit, maxval=limit, dtype=jnp.float32)
    gcn_bias = jnp.zeros((D,), dtype=jnp.float32)
    # nn.Linear(outfeature, outfeature, bias=False): weight [out, in]
    ln_weight = jax.random.uniform(k4, (D, D), minval=-limit, maxval=limit, dtype=jnp.float32)
    return {"x": x, "edge_index": edge_index, "gcn_weight": gcn_weight, "gcn_bias": gcn_bias, "ln_weight": ln_weight}


def _gcn_conv(x, edge_index, W, b):
    N = x.shape[0]
    src = edge_index[0]
    dst = edge_index[1]
    # add self-loops (PyG GCNConv default)
    loop = jnp.arange(N, dtype=src.dtype)
    src = jnp.concatenate([src, loop])
    dst = jnp.concatenate([dst, loop])
    # symmetric normalization: deg^{-1/2}[src] * deg^{-1/2}[dst]
    deg = jnp.zeros((N,), dtype=x.dtype).at[dst].add(1.0)
    deg_inv_sqrt = jnp.where(deg > 0, jax.lax.rsqrt(jnp.maximum(deg, 1e-12)), 0.0)
    norm = deg_inv_sqrt[src] * deg_inv_sqrt[dst]
    h = x @ W
    msg = h[src] * norm[:, None]
    out = jnp.zeros_like(h).at[dst].add(msg)
    return out + b


def reference(x, edge_index, gcn_weight, gcn_bias, ln_weight):
    identity = x
    out = _gcn_conv(x, edge_index, gcn_weight, gcn_bias)
    out = jax.nn.relu(out)
    out = out @ ln_weight.T
    out = out + identity
    out = jax.nn.relu(out)
    return out

if __name__ == "__main__":
    import jax
    _d = setup_inputs()
    print(jax.jit(kernel)(*tuple(_d.values())))

</pallas_src>

<mosaic_0001>
#map = affine_map<(d0, d1) -> (0, 0, 0)>
#map1 = affine_map<(d0, d1) -> (0)>
module attributes {stable_mosaic.version = 14 : i64} {
  func.func @_deg_body(%arg0: i32, %arg1: i32, %arg2: memref<32x125x80xi32, #tpu.memory_space<hbm>>, %arg3: memref<20000xf32, #tpu.memory_space<hbm>>, %arg4: memref<125x80xi32, #tpu.memory_space<vmem>>, %arg5: memref<80xf32, #tpu.memory_space<vmem>>, %arg6: memref<10000xf32, #tpu.memory_space<vmem>>, %arg7: memref<10000xf32, #tpu.memory_space<vmem_shared>>, %arg8: memref<!tpu.dma_semaphore, #tpu.memory_space<semaphore_mem>>) attributes {dimension_semantics = [#tpu.dimension_semantics<core_parallel>, #tpu.dimension_semantics<subcore_parallel>], iteration_bounds = array<i64: 2, 16>, scalar_prefetch = 0 : i64, scratch_operands = 5 : i64, tpu.core_type = #tpu.core_type<sc_vector_subcore>, window_params = [{transform_indices = #map}, {transform_indices = #map1}]} {
    %mul3A = arith.constant 2 : i32
    %mul3A_0 = arith.muli %arg1, %mul3A : i32
    %add3A = arith.addi %mul3A_0, %arg0 : i32
    %dma_start3A = arith.constant 0 : i32
    %dma_start3A_1 = arith.constant 0 : i32
    %dma_start3A_2 = tpu.memref_slice %arg2[%add3A, %dma_start3A, %dma_start3A_1] : memref<32x125x80xi32, #tpu.memory_space<hbm>> -> memref<1x125x80xi32, #tpu.memory_space<hbm>>
    %dma_start3A_3 = tpu.memref_squeeze %dma_start3A_2 : memref<1x125x80xi32, #tpu.memory_space<hbm>> -> memref<125x80xi32, #tpu.memory_space<hbm>>
    %dma_start3A_4 = arith.constant 0 : i32
    %dma_start3A_5 = arith.constant 0 : i32
    %dma_start3A_6 = tpu.memref_slice %arg2[%add3A, %dma_start3A_4, %dma_start3A_5] : memref<32x125x80xi32, #tpu.memory_space<hbm>> -> memref<1x125x80xi32, #tpu.memory_space<hbm>>
    %dma_start3A_7 = tpu.memref_squeeze %dma_start3A_6 : memref<1x125x80xi32, #tpu.memory_space<hbm>> -> memref<125x80xi32, #tpu.memory_space<hbm>>
    tpu.enqueue_dma source(%dma_start3A_7 : memref<125x80xi32, #tpu.memory_space<hbm>>) target(%arg4 : memref<125x80xi32, #tpu.memory_space<vmem>>) target_semaphore(%arg8 : memref<!tpu.dma_semaphore, #tpu.memory_space<semaphore_mem>>)
    %broadcast_in_dim3A = arith.constant 1.000000e+00 : f32
    %broadcast_in_dim3A_8 = vector.broadcast %broadcast_in_dim3A : f32 to vector<16xf32>
    %swap3A = arith.constant 0 : index
    %swap3A_9 = tpu.vector_load %arg5[%swap3A] {strides = array<i32>} : memref<80xf32, #tpu.memory_space<vmem>>, vector<16xf32>,
    %swap3A_10 = vector.shape_cast %swap3A_9 : vector<16xf32> to vector<16xf32>
    %swap3A_11 = vector.shape_cast %broadcast_in_dim3A_8 : vector<16xf32> to vector<16xf32>
    tpu.vector_store %arg5[%swap3A], %swap3A_11 {strides = array<i32>} : memref<80xf32, #tpu.memory_space<vmem>>, vector<16xf32>,
    %broadcast_in_dim3A_12 = arith.constant 1.000000e+00 : f32
    %broadcast_in_dim3A_13 = vector.broadcast %broadcast_in_dim3A_12 : f32 to vector<16xf32>
    %swap3A_14 = arith.constant 16 : index
    %swap3A_15 = tpu.vector_load %arg5[%swap3A_14] {strides = array<i32>} : memref<80xf32, #tpu.memory_space<vmem>>, vector<16xf32>,
    %swap3A_16 = vector.shape_cast %swap3A_15 : vector<16xf32> to vector<16xf32>
    %swap3A_17 = vector.shape_cast %broadcast_in_dim3A_13 : vector<16xf32> to vector<16xf32>
    tpu.vector_store %arg5[%swap3A_14], %swap3A_17 {strides = array<i32>} : memref<80xf32, #tpu.memory_space<vmem>>, vector<16xf32>,
    %broadcast_in_dim3A_18 = arith.constant 1.000000e+00 : f32
    %broadcast_in_dim3A_19 = vector.broadcast %broadcast_in_dim3A_18 : f32 to vector<16xf32>
    %swap3A_20 = arith.constant 32 : index
    %swap3A_21 = tpu.vector_load %arg5[%swap3A_20] {strides = array<i32>} : memref<80xf32, #tpu.memory_space<vmem>>, vector<16xf32>,
    %swap3A_22 = vector.shape_cast %swap3A_21 : vector<16xf32> to vector<16xf32>
    %swap3A_23 = vector.shape_cast %broadcast_in_dim3A_19 : vector<16xf32> to vector<16xf32>
    tpu.vector_store %arg5[%swap3A_20], %swap3A_23 {strides = array<i32>} : memref<80xf32, #tpu.memory_space<vmem>>, vector<16xf32>,
    %broadcast_in_dim3A_24 = arith.constant 1.000000e+00 : f32
    %broadcast_in_dim3A_25 = vector.broadcast %broadcast_in_dim3A_24 : f32 to vector<16xf32>
    %swap3A_26 = arith.constant 48 : index
    %swap3A_27 = tpu.vector_load %arg5[%swap3A_26] {strides = array<i32>} : memref<80xf32, #tpu.memory_space<vmem>>, vector<16xf32>,
    %swap3A_28 = vector.shape_cast %swap3A_27 : vector<16xf32> to vector<16xf32>
    %swap3A_29 = vector.shape_cast %broadcast_in_dim3A_25 : vector<16xf32> to vector<16xf32>
    tpu.vector_store %arg5[%swap3A_26], %swap3A_29 {strides = array<i32>} : memref<80xf32, #tpu.memory_space<vmem>>, vector<16xf32>,
    %broadcast_in_dim3A_30 = arith.constant 1.000000e+00 : f32
    %broadcast_in_dim3A_31 = vector.broadcast %broadcast_in_dim3A_30 : f32 to vector<16xf32>
    %swap3A_32 = arith.constant 64 : index
    %swap3A_33 = tpu.vector_load %arg5[%swap3A_32] {strides = array<i32>} : memref<80xf32, #tpu.memory_space<vmem>>, vector<16xf32>,
    %swap3A_34 = vector.shape_cast %swap3A_33 : vector<16xf32> to vector<16xf32>
    %swap3A_35 = vector.shape_cast %broadcast_in_dim3A_31 : vector<16xf32> to vector<16xf32>
    tpu.vector_store %arg5[%swap3A_32], %swap3A_35 {strides = array<i32>} : memref<80xf32, #tpu.memory_space<vmem>>, vector<16xf32>,
    %eq3A = arith.constant 0 : i32
    %eq3A_36 = arith.cmpi eq, %arg1, %eq3A : i32
    %convert_element_type3A = arith.extui %eq3A_36 : i1 to i32
    %cond3A = arith.constant 0 : i32
    %cond3A_37 = arith.cmpi ne, %convert_element_type3A, %cond3A : i32
    scf.if %cond3A_37 {
      %broadcast_in_dim3A_56 = arith.constant 0.000000e+00 : f32
      %broadcast_in_dim3A_57 = vector.broadcast %broadcast_in_dim3A_56 : f32 to vector<16xf32>
      %scan3A_58 = arith.constant 0 : i32
      %scan3A_59 = arith.constant 0 : i32
      %scan3A_60 = arith.constant 625 : i32
      %scan3A_61 = arith.addi %scan3A_59, %scan3A_60 : i32
      %scan3A_62 = arith.constant 1 : i32
      scf.for %scan3A_64 = %scan3A_59 to %scan3A_61 step %scan3A_62  : i32 {
        %mul3A_65 = arith.constant 16 : i32
        %mul3A_66 = arith.muli %scan3A_64, %mul3A_65 : i32
        %swap3A_67 = arith.index_cast %mul3A_66 : i32 to index
        %swap3A_68 = tpu.vector_load %arg6[%swap3A_67] {strides = array<i32>} : memref<10000xf32, #tpu.memory_space<vmem>>, vector<16xf32>,
        %swap3A_69 = vector.shape_cast %swap3A_68 : vector<16xf32> to vector<16xf32>
        %swap3A_70 = vector.shape_cast %broadcast_in_dim3A_57 : vector<16xf32> to vector<16xf32>
        tpu.vector_store %arg6[%swap3A_67], %swap3A_70 {strides = array<i32>} : memref<10000xf32, #tpu.memory_space<vmem>>, vector<16xf32>,
      }
      %scan3A_63 = arith.constant 625 : i32
      "tpu.region"() ({
        %run_scoped3A = tpu.sem_alloc : memref<!tpu.dma_semaphore, #tpu.memory_space<semaphore_mem>>
        tpu.enqueue_dma source(%arg6 : memref<10000xf32, #tpu.memory_space<vmem>>) target(%arg7 : memref<10000xf32, #tpu.memory_space<vmem_shared>>) target_semaphore(%run_scoped3A : memref<!tpu.dma_semaphore, #tpu.memory_space<semaphore_mem>>)
        tpu.wait_dma2 semaphore(%run_scoped3A : memref<!tpu.dma_semaphore, #tpu.memory_space<semaphore_mem>>) src(%arg6 : memref<10000xf32, #tpu.memory_space<vmem>>) dst(%arg7 : memref<10000xf32, #tpu.memory_space<vmem_shared>>)
        tpu.yield
      }) : () -> ()
    } else {
    }
    %barrier3A = arith.constant 0 : index
    tpu.barrier barrier_id(%barrier3A)
    %dma_wait3A = arith.constant 0 : i32
    %dma_wait3A_38 = arith.constant 0 : i32
    %dma_wait3A_39 = tpu.memref_slice %arg2[%add3A, %dma_wait3A, %dma_wait3A_38] : memref<32x125x80xi32, #tpu.memory_space<hbm>> -> memref<1x125x80xi32, #tpu.memory_space<hbm>>
    %dma_wait3A_40 = tpu.memref_squeeze %dma_wait3A_39 : memref<1x125x80xi32, #tpu.memory_space<hbm>> -> memref<125x80xi32, #tpu.memory_space<hbm>>
    %dma_wait3A_41 = arith.constant 0 : i32
    %dma_wait3A_42 = arith.constant 0 : i32
    %dma_wait3A_43 = tpu.memref_slice %arg2[%add3A, %dma_wait3A_41, %dma_wait3A_42] : memref<32x125x80xi32, #tpu.memory_space<hbm>> -> memref<1x125x80xi32, #tpu.memory_space<hbm>>
    %dma_wait3A_44 = tpu.memref_squeeze %dma_wait3A_43 : memref<1x125x80xi32, #tpu.memory_space<hbm>> -> memref<125x80xi32, #tpu.memory_space<hbm>>
    tpu.wait_dma2 semaphore(%arg8 : memref<!tpu.dma_semaphore, #tpu.memory_space<semaphore_mem>>) src(%dma_wait3A_44 : memref<125x80xi32, #tpu.memory_space<hbm>>) dst(%arg4 : memref<125x80xi32, #tpu.memory_space<vmem>>)
    %scan3A = arith.constant 0 : i32
    %scan3A_45 = arith.constant 0 : i32
    %scan3A_46 = arith.constant 133 : i32
    %scan3A_47 = arith.addi %scan3A_45, %scan3A_46 : i32
    %scan3A_48 = arith.constant 1 : i32
    scf.for %scan3A_56 = %scan3A_45 to %scan3A_47 step %scan3A_48  : i32 {
      %lt3A = arith.constant 125 : i32
      %lt3A_57 = arith.cmpi slt, %scan3A_56, %lt3A : i32
      %convert_element_type3A_58 = arith.extui %lt3A_57 : i1 to i32
      %cond3A_59 = arith.constant 0 : i32
      %cond3A_60 = arith.cmpi ne, %convert_element_type3A_58, %cond3A_59 : i32
      scf.if %cond3A_60 {
        %dma_start3A_65 = arith.constant 0 : i32
        %dma_start3A_66 = tpu.memref_slice %arg4[%scan3A_56, %dma_start3A_65] : memref<125x80xi32, #tpu.memory_space<vmem>> -> memref<1x80xi32, #tpu.memory_space<vmem>>
        %dma_start3A_67 = tpu.memref_squeeze %dma_start3A_66 : memref<1x80xi32, #tpu.memory_space<vmem>> -> memref<80xi32, #tpu.memory_space<vmem>>
        %dma_start3A_68 = arith.constant 0 : i32
        %dma_start3A_69 = tpu.memref_slice %arg7[%dma_start3A_68] : memref<10000xf32, #tpu.memory_space<vmem_shared>> -> memref<10000xf32, #tpu.memory_space<vmem_shared>>
        tpu.enqueue_indirect_dma source(%arg5 : memref<80xf32, #tpu.memory_space<vmem>>) target(%dma_start3A_69 : memref<10000xf32, #tpu.memory_space<vmem_shared>>) offsets(%dma_start3A_67 : memref<80xi32, #tpu.memory_space<vmem>>) semaphore(%arg8 : memref<!tpu.dma_semaphore, #tpu.memory_space<semaphore_mem>>) {add = true}
      } else {
      }
      %ge3A = arith.constant 8 : i32
      %ge3A_61 = arith.cmpi sge, %scan3A_56, %ge3A : i32
      %convert_element_type3A_62 = arith.extui %ge3A_61 : i1 to i32
      %cond3A_63 = arith.constant 0 : i32
      %cond3A_64 = arith.cmpi ne, %convert_element_type3A_62, %cond3A_63 : i32
      scf.if %cond3A_64 {
        %dma_wait3A_65 = arith.constant 0 : i32
        %dma_wait3A_66 = arith.constant 0 : i32
        %dma_wait3A_67 = tpu.memref_slice %arg4[%dma_wait3A_65, %dma_wait3A_66] : memref<125x80xi32, #tpu.memory_space<vmem>> -> memref<1x80xi32, #tpu.memory_space<vmem>>
        %dma_wait3A_68 = tpu.memref_squeeze %dma_wait3A_67 : memref<1x80xi32, #tpu.memory_space<vmem>> -> memref<80xi32, #tpu.memory_space<vmem>>
        %dma_wait3A_69 = arith.constant 0 : i32
        %dma_wait3A_70 = tpu.memref_slice %arg7[%dma_wait3A_69] : memref<10000xf32, #tpu.memory_space<vmem_shared>> -> memref<10000xf32, #tpu.memory_space<vmem_shared>>
        tpu.wait_indirect_dma semaphore(%arg8 : memref<!tpu.dma_semaphore, #tpu.memory_space<semaphore_mem>>) src(%arg5 : memref<80xf32, #tpu.memory_space<vmem>>) dst(%dma_wait3A_70 : memref<10000xf32, #tpu.memory_space<vmem_shared>>)
      } else {
      }
    }
    %scan3A_49 = arith.constant 133 : i32
    %barrier3A_50 = arith.constant 0 : index
    tpu.barrier barrier_id(%barrier3A_50)
    %eq3A_51 = arith.constant 0 : i32
    %eq3A_52 = arith.cmpi eq, %arg1, %eq3A_51 : i32
    %convert_element_type3A_53 = arith.extui %eq3A_52 : i1 to i32
    %cond3A_54 = arith.constant 0 : i32
    %cond3A_55 = arith.cmpi ne, %convert_element_type3A_53, %cond3A_54 : i32
    scf.if %cond3A_55 {
      "tpu.region"() ({
        %run_scoped3A = tpu.sem_alloc : memref<!tpu.dma_semaphore, #tpu.memory_space<semaphore_mem>>
        tpu.enqueue_dma source(%arg7 : memref<10000xf32, #tpu.memory_space<vmem_shared>>) target(%arg6 : memref<10000xf32, #tpu.memory_space<vmem>>) target_semaphore(%run_scoped3A : memref<!tpu.dma_semaphore, #tpu.memory_space<semaphore_mem>>)
        tpu.wait_dma2 semaphore(%run_scoped3A : memref<!tpu.dma_semaphore, #tpu.memory_space<semaphore_mem>>) src(%arg7 : memref<10000xf32, #tpu.memory_space<vmem_shared>>) dst(%arg6 : memref<10000xf32, #tpu.memory_space<vmem>>)
        tpu.yield
      }) : () -> ()
      %mul3A_56 = arith.constant 10000 : i32
      %mul3A_57 = arith.muli %arg0, %mul3A_56 : i32
      "tpu.region"() ({
        %run_scoped3A = tpu.sem_alloc : memref<!tpu.dma_semaphore, #tpu.memory_space<semaphore_mem>>
        %dma_start3A_58 = tpu.memref_slice %arg3[%mul3A_57] : memref<20000xf32, #tpu.memory_space<hbm>> -> memref<10000xf32, #tpu.memory_space<hbm>>
        %dma_start3A_59 = tpu.memref_slice %arg3[%mul3A_57] : memref<20000xf32, #tpu.memory_space<hbm>> -> memref<10000xf32, #tpu.memory_space<hbm>>
        tpu.enqueue_dma source(%arg6 : memref<10000xf32, #tpu.memory_space<vmem>>) target(%dma_start3A_59 : memref<10000xf32, #tpu.memory_space<hbm>>) target_semaphore(%run_scoped3A : memref<!tpu.dma_semaphore, #tpu.memory_space<semaphore_mem>>)
        %dma_wait3A_60 = tpu.memref_slice %arg3[%mul3A_57] : memref<20000xf32, #tpu.memory_space<hbm>> -> memref<10000xf32, #tpu.memory_space<hbm>>
        %dma_wait3A_61 = tpu.memref_slice %arg3[%mul3A_57] : memref<20000xf32, #tpu.memory_space<hbm>> -> memref<10000xf32, #tpu.memory_space<hbm>>
        tpu.wait_dma2 semaphore(%run_scoped3A : memref<!tpu.dma_semaphore, #tpu.memory_space<semaphore_mem>>) src(%arg6 : memref<10000xf32, #tpu.memory_space<vmem>>) dst(%dma_wait3A_61 : memref<10000xf32, #tpu.memory_space<hbm>>)
        tpu.yield
      }) : () -> ()
    } else {
    }
    return
  }
}

#map = affine_map<(d0, d1) -> (0, 0, 0)>
module attributes {stable_mosaic.version = 14 : i64} {
  func.func @_msg_body(%arg0: i32, %arg1: i32, %arg2: memref<2x10000x64xf32, #tpu.memory_space<hbm>>, %arg3: memref<16x250x80xi32, #tpu.memory_space<hbm>>, %arg4: memref<16x250x80xi32, #tpu.memory_space<hbm>>, %arg5: memref<2x10240x64xf32, #tpu.memory_space<hbm>>, %arg6: memref<250x80xi32, #tpu.memory_space<vmem>>, %arg7: memref<250x80xi32, #tpu.memory_space<vmem>>, %arg8: memref<80x64xf32, #tpu.memory_space<vmem>>, %arg9: memref<80x64xf32, #tpu.memory_space<vmem>>, %arg10: memref<80x64xf32, #tpu.memory_space<vmem>>, %arg11: memref<80x64xf32, #tpu.memory_space<vmem>>, %arg12: memref<128x64xf32, #tpu.memory_space<vmem>>, %arg13: memref<10240x64xf32, #tpu.memory_space<vmem_shared>>, %arg14: memref<!tpu.dma_semaphore, #tpu.memory_space<semaphore_mem>>, %arg15: memref<!tpu.dma_semaphore, #tpu.memory_space<semaphore_mem>>, %arg16: memref<!tpu.dma_semaphore, #tpu.memory_space<semaphore_mem>>, %arg17: memref<!tpu.dma_semaphore, #tpu.memory_space<semaphore_mem>>, %arg18: memref<!tpu.dma_semaphore, #tpu.memory_space<semaphore_mem>>, %arg19: memref<!tpu.dma_semaphore, #tpu.memory_space<semaphore_mem>>, %arg20: memref<!tpu.dma_semaphore, #tpu.memory_space<semaphore_mem>>, %arg21: memref<!tpu.dma_semaphore, #tpu.memory_space<semaphore_mem>>) attributes {dimension_semantics = [#tpu.dimension_semantics<core_parallel>, #tpu.dimension_semantics<subcore_parallel>], iteration_bounds = array<i64: 2, 16>, scalar_prefetch = 0 : i64, scratch_operands = 16 : i64, tpu.core_type = #tpu.core_type<sc_vector_subcore>, window_params = [{transform_indices = #map}, {transform_indices = #map}, {transform_indices = #map}, {transform_indices = #map}]} {
    %dma_start3A = arith.constant 0 : i32
    %dma_start3A_0 = arith.constant 0 : i32
    %dma_start3A_1 = tpu.memref_slice %arg3[%arg1, %dma_start3A, %dma_start3A_0] : memref<16x250x80xi32, #tpu.memory_space<hbm>> -> memref<1x250x80xi32, #tpu.memory_space<hbm>>
    %dma_start3A_2 = tpu.memref_squeeze %dma_start3A_1 : memref<1x250x80xi32, #tpu.memory_space<hbm>> -> memref<250x80xi32, #tpu.memory_space<hbm>>
    %dma_start3A_3 = arith.constant 0 : i32
    %dma_start3A_4 = arith.constant 0 : i32
    %dma_start3A_5 = tpu.memref_slice %arg3[%arg1, %dma_start3A_3, %dma_start3A_4] : memref<16x250x80xi32, #tpu.memory_space<hbm>> -> memref<1x250x80xi32, #tpu.memory_space<hbm>>
    %dma_start3A_6 = tpu.memref_squeeze %dma_start3A_5 : memref<1x250x80xi32, #tpu.memory_space<hbm>> -> memref<250x80xi32, #tpu.memory_space<hbm>>
    tpu.enqueue_dma source(%dma_start3A_6 : memref<250x80xi32, #tpu.memory_space<hbm>>) target(%arg6 : memref<250x80xi32, #tpu.memory_space<vmem>>) target_semaphore(%arg14 : memref<!tpu.dma_semaphore, #tpu.memory_space<semaphore_mem>>)
    %dma_start3A_7 = arith.constant 0 : i32
    %dma_start3A_8 = arith.constant 0 : i32
    %dma_start3A_9 = tpu.memref_slice %arg4[%arg1, %dma_start3A_7, %dma_start3A_8] : memref<16x250x80xi32, #tpu.memory_space<hbm>> -> memref<1x250x80xi32, #tpu.memory_space<hbm>>
    %dma_start3A_10 = tpu.memref_squeeze %dma_start3A_9 : memref<1x250x80xi32, #tpu.memory_space<hbm>> -> memref<250x80xi32, #tpu.memory_space<hbm>>
    %dma_start3A_11 = arith.constant 0 : i32
    %dma_start3A_12 = arith.constant 0 : i32
    %dma_start3A_13 = tpu.memref_slice %arg4[%arg1, %dma_start3A_11, %dma_start3A_12] : memref<16x250x80xi32, #tpu.memory_space<hbm>> -> memref<1x250x80xi32, #tpu.memory_space<hbm>>
    %dma_start3A_14 = tpu.memref_squeeze %dma_start3A_13 : memref<1x250x80xi32, #tpu.memory_space<hbm>> -> memref<250x80xi32, #tpu.memory_space<hbm>>
    tpu.enqueue_dma source(%dma_start3A_14 : memref<250x80xi32, #tpu.memory_space<hbm>>) target(%arg7 : memref<250x80xi32, #tpu.memory_space<vmem>>) target_semaphore(%arg15 : memref<!tpu.dma_semaphore, #tpu.memory_space<semaphore_mem>>)
    %broadcast_in_dim3A = arith.constant 0.000000e+00 : f32
    %broadcast_in_dim3A_15 = vector.broadcast %broadcast_in_dim3A : f32 to vector<16xf32>
    %scan3A = arith.constant 0 : i32
    %scan3A_16 = arith.constant 0 : i32
    %scan3A_17 = arith.constant 128 : i32
    %scan3A_18 = arith.addi %scan3A_16, %scan3A_17 : i32
    %scan3A_19 = arith.constant 1 : i32
    scf.for %scan3A_281 = %scan3A_16 to %scan3A_18 step %scan3A_19  : i32 {
      %swap3A = arith.index_cast %scan3A_281 : i32 to index
      %swap3A_282 = arith.constant 0 : index
      %swap3A_283 = tpu.vector_load %arg12[%swap3A, %swap3A_282] {strides = array<i32>} : memref<128x64xf32, #tpu.memory_space<vmem>>, vector<1x16xf32>,
      %swap3A_284 = vector.shape_cast %swap3A_283 : vector<1x16xf32> to vector<16xf32>
      %swap3A_285 = vector.shape_cast %broadcast_in_dim3A_15 : vector<16xf32> to vector<1x16xf32>
      tpu.vector_store %arg12[%swap3A, %swap3A_282], %swap3A_285 {strides = array<i32>} : memref<128x64xf32, #tpu.memory_space<vmem>>, vector<1x16xf32>,
      %swap3A_286 = arith.index_cast %scan3A_281 : i32 to index
      %swap3A_287 = arith.constant 16 : index
      %swap3A_288 = tpu.vector_load %arg12[%swap3A_286, %swap3A_287] {strides = array<i32>} : memref<128x64xf32, #tpu.memory_space<vmem>>, vector<1x16xf32>,
      %swap3A_289 = vector.shape_cast %swap3A_288 : vector<1x16xf32> to vector<16xf32>
      %swap3A_290 = vector.shape_cast %broadcast_in_dim3A_15 : vector<16xf32> to vector<1x16xf32>
      tpu.vector_store %arg12[%swap3A_286, %swap3A_287], %swap3A_290 {strides = array<i32>} : memref<128x64xf32, #tpu.memory_space<vmem>>, vector<1x16xf32>,
      %swap3A_291 = arith.index_cast %scan3A_281 : i32 to index
      %swap3A_292 = arith.constant 32 : index
      %swap3A_293 = tpu.vector_load %arg12[%swap3A_291, %swap3A_292] {strides = array<i32>} : memref<128x64xf32, #tpu.memory_space<vmem>>, vector<1x16xf32>,
      %swap3A_294 = vector.shape_cast %swap3A_293 : vector<1x16xf32> to vector<16xf32>
      %swap3A_295 = vector.shape_cast %broadcast_in_dim3A_15 : vector<16xf32> to vector<1x16xf32>
      tpu.vector_store %arg12[%swap3A_291, %swap3A_292], %swap3A_295 {strides = array<i32>} : memref<128x64xf32, #tpu.memory_space<vmem>>, vector<1x16xf32>,
      %swap3A_296 = arith.index_cast %scan3A_281 : i32 to index
      %swap3A_297 = arith.constant 48 : index
      %swap3A_298 = tpu.vector_load %arg12[%swap3A_296, %swap3A_297] {strides = array<i32>} : memref<128x64xf32, #tpu.memory_space<vmem>>, vector<1x16xf32>,
      %swap3A_299 = vector.shape_cast %swap3A_298 : vector<1x16xf32> to vector<16xf32>
      %swap3A_300 = vector.shape_cast %broadcast_in_dim3A_15 : vector<16xf32> to vector<1x16xf32>
      tpu.vector_store %arg12[%swap3A_296, %swap3A_297], %swap3A_300 {strides = array<i32>} : memref<128x64xf32, #tpu.memory_space<vmem>>, vector<1x16xf32>,
    }
    %scan3A_20 = arith.constant 128 : i32
    %mul3A = arith.constant 640 : i32
    %mul3A_21 = arith.muli %arg1, %mul3A : i32
    %add3A = arith.constant 0 : i32
    %add3A_22 = arith.addi %mul3A_21, %add3A : i32
    "tpu.region"() ({
      %run_scoped3A = tpu.sem_alloc : memref<!tpu.dma_semaphore, #tpu.memory_space<semaphore_mem>>
      %dma_start3A_281 = arith.constant 0 : i32
      %dma_start3A_282 = tpu.memref_slice %arg13[%add3A_22, %dma_start3A_281] : memref<10240x64xf32, #tpu.memory_space<vmem_shared>> -> memref<128x64xf32, #tpu.memory_space<vmem_shared>>
      %dma_start3A_283 = arith.constant 0 : i32
      %dma_start3A_284 = tpu.memref_slice %arg13[%add3A_22, %dma_start3A_283] : memref<10240x64xf32, #tpu.memory_space<vmem_shared>> -> memref<128x64xf32, #tpu.memory_space<vmem_shared>>
      tpu.enqueue_dma source(%arg12 : memref<128x64xf32, #tpu.memory_space<vmem>>) target(%dma_start3A_284 : memref<128x64xf32, #tpu.memory_space<vmem_shared>>) target_semaphore(%run_scoped3A : memref<!tpu.dma_semaphore, #tpu.memory_space<semaphore_mem>>)
      %dma_wait3A_285 = arith.constant 0 : i32
      %dma_wait3A_286 = tpu.memref_slice %arg13[%add3A_22, %dma_wait3A_285] : memref<10240x64xf32, #tpu.memory_space<vmem_shared>> -> memref<128x64xf32, #tpu.memory_space<vmem_shared>>
      %dma_wait3A_287 = arith.constant 0 : i32
      %dma_wait3A_288 = tpu.memref_slice %arg13[%add3A_22, %dma_wait3A_287] : memref<10240x64xf32, #tpu.memory_space<vmem_shared>> -> memref<128x64xf32, #tpu.memory_space<vmem_shared>>
      tpu.wait_dma2 semaphore(%run_scoped3A : memref<!tpu.dma_semaphore, #tpu.memory_space<semaphore_mem>>) src(%arg12 : memref<128x64xf32, #tpu.memory_space<vmem>>) dst(%dma_wait3A_288 : memref<128x64xf32, #tpu.memory_space<vmem_shared>>)
      tpu.yield
    }) : () -> ()
    %mul3A_23 = arith.constant 640 : i32
    %mul3A_24 = arith.muli %arg1, %mul3A_23 : i32
    %add3A_25 = arith.constant 128 : i32
    %add3A_26 = arith.addi %mul3A_24, %add3A_25 : i32
    "tpu.region"() ({
      %run_scoped3A = tpu.sem_alloc : memref<!tpu.dma_semaphore, #tpu.memory_space<semaphore_mem>>
      %dma_start3A_281 = arith.constant 0 : i32
      %dma_start3A_282 = tpu.memref_slice %arg13[%add3A_26, %dma_start3A_281] : memref<10240x64xf32, #tpu.memory_space<vmem_shared>> -> memref<128x64xf32, #tpu.memory_space<vmem_shared>>
      %dma_start3A_283 = arith.constant 0 : i32
      %dma_start3A_284 = tpu.memref_slice %arg13[%add3A_26, %dma_start3A_283] : memref<10240x64xf32, #tpu.memory_space<vmem_shared>> -> memref<128x64xf32, #tpu.memory_space<vmem_shared>>
      tpu.enqueue_dma source(%arg12 : memref<128x64xf32, #tpu.memory_space<vmem>>) target(%dma_start3A_284 : memref<128x64xf32, #tpu.memory_space<vmem_shared>>) target_semaphore(%run_scoped3A : memref<!tpu.dma_semaphore, #tpu.memory_space<semaphore_mem>>)
      %dma_wait3A_285 = arith.constant 0 : i32
      %dma_wait3A_286 = tpu.memref_slice %arg13[%add3A_26, %dma_wait3A_285] : memref<10240x64xf32, #tpu.memory_space<vmem_shared>> -> memref<128x64xf32, #tpu.memory_space<vmem_shared>>
      %dma_wait3A_287 = arith.constant 0 : i32
      %dma_wait3A_288 = tpu.memref_slice %arg13[%add3A_26, %dma_wait3A_287] : memref<10240x64xf32, #tpu.memory_space<vmem_shared>> -> memref<128x64xf32, #tpu.memory_space<vmem_shared>>
      tpu.wait_dma2 semaphore(%run_scoped3A : memref<!tpu.dma_semaphore, #tpu.memory_space<semaphore_mem>>) src(%arg12 : memref<128x64xf32, #tpu.memory_space<vmem>>) dst(%dma_wait3A_288 : memref<128x64xf32, #tpu.memory_space<vmem_shared>>)
      tpu.yield
    }) : () -> ()
    %mul3A_27 = arith.constant 640 : i32
    %mul3A_28 = arith.muli %arg1, %mul3A_27 : i32
    %add3A_29 = arith.constant 256 : i32
    %add3A_30 = arith.addi %mul3A_28, %add3A_29 : i32
    "tpu.region"() ({
      %run_scoped3A = tpu.sem_alloc : memref<!tpu.dma_semaphore, #tpu.memory_space<semaphore_mem>>
      %dma_start3A_281 = arith.constant 0 : i32
      %dma_start3A_282 = tpu.memref_slice %arg13[%add3A_30, %dma_start3A_281] : memref<10240x64xf32, #tpu.memory_space<vmem_shared>> -> memref<128x64xf32, #tpu.memory_space<vmem_shared>>
      %dma_start3A_283 = arith.constant 0 : i32
      %dma_start3A_284 = tpu.memref_slice %arg13[%add3A_30, %dma_start3A_283] : memref<10240x64xf32, #tpu.memory_space<vmem_shared>> -> memref<128x64xf32, #tpu.memory_space<vmem_shared>>
      tpu.enqueue_dma source(%arg12 : memref<128x64xf32, #tpu.memory_space<vmem>>) target(%dma_start3A_284 : memref<128x64xf32, #tpu.memory_space<vmem_shared>>) target_semaphore(%run_scoped3A : memref<!tpu.dma_semaphore, #tpu.memory_space<semaphore_mem>>)
      %dma_wait3A_285 = arith.constant 0 : i32
      %dma_wait3A_286 = tpu.memref_slice %arg13[%add3A_30, %dma_wait3A_285] : memref<10240x64xf32, #tpu.memory_space<vmem_shared>> -> memref<128x64xf32, #tpu.memory_space<vmem_shared>>
      %dma_wait3A_287 = arith.constant 0 : i32
      %dma_wait3A_288 = tpu.memref_slice %arg13[%add3A_30, %dma_wait3A_287] : memref<10240x64xf32, #tpu.memory_space<vmem_shared>> -> memref<128x64xf32, #tpu.memory_space<vmem_shared>>
      tpu.wait_dma2 semaphore(%run_scoped3A : memref<!tpu.dma_semaphore, #tpu.memory_space<semaphore_mem>>) src(%arg12 : memref<128x64xf32, #tpu.memory_space<vmem>>) dst(%dma_wait3A_288 : memref<128x64xf32, #tpu.memory_space<vmem_shared>>)
      tpu.yield
    }) : () -> ()
    %mul3A_31 = arith.constant 640 : i32
    %mul3A_32 = arith.muli %arg1, %mul3A_31 : i32
    %add3A_33 = arith.constant 384 : i32
    %add3A_34 = arith.addi %mul3A_32, %add3A_33 : i32
    "tpu.region"() ({
      %run_scoped3A = tpu.sem_alloc : memref<!tpu.dma_semaphore, #tpu.memory_space<semaphore_mem>>
      %dma_start3A_281 = arith.constant 0 : i32
      %dma_start3A_282 = tpu.memref_slice %arg13[%add3A_34, %dma_start3A_281] : memref<10240x64xf32, #tpu.memory_space<vmem_shared>> -> memref<128x64xf32, #tpu.memory_space<vmem_shared>>
      %dma_start3A_283 = arith.constant 0 : i32
      %dma_start3A_284 = tpu.memref_slice %arg13[%add3A_34, %dma_start3A_283] : memref<10240x64xf32, #tpu.memory_space<vmem_shared>> -> memref<128x64xf32, #tpu.memory_space<vmem_shared>>
      tpu.enqueue_dma source(%arg12 : memref<128x64xf32, #tpu.memory_space<vmem>>) target(%dma_start3A_284 : memref<128x64xf32, #tpu.memory_space<vmem_shared>>) target_semaphore(%run_scoped3A : memref<!tpu.dma_semaphore, #tpu.memory_space<semaphore_mem>>)
      %dma_wait3A_285 = arith.constant 0 : i32
      %dma_wait3A_286 = tpu.memref_slice %arg13[%add3A_34, %dma_wait3A_285] : memref<10240x64xf32, #tpu.memory_space<vmem_shared>> -> memref<128x64xf32, #tpu.memory_space<vmem_shared>>
      %dma_wait3A_287 = arith.constant 0 : i32
      %dma_wait3A_288 = tpu.memref_slice %arg13[%add3A_34, %dma_wait3A_287] : memref<10240x64xf32, #tpu.memory_space<vmem_shared>> -> memref<128x64xf32, #tpu.memory_space<vmem_shared>>
      tpu.wait_dma2 semaphore(%run_scoped3A : memref<!tpu.dma_semaphore, #tpu.memory_space<semaphore_mem>>) src(%arg12 : memref<128x64xf32, #tpu.memory_space<vmem>>) dst(%dma_wait3A_288 : memref<128x64xf32, #tpu.memory_space<vmem_shared>>)
      tpu.yield
    }) : () -> ()
    %mul3A_35 = arith.constant 640 : i32
    %mul3A_36 = arith.muli %arg1, %mul3A_35 : i32
    %add3A_37 = arith.constant 512 : i32
    %add3A_38 = arith.addi %mul3A_36, %add3A_37 : i32
    "tpu.region"() ({
      %run_scoped3A = tpu.sem_alloc : memref<!tpu.dma_semaphore, #tpu.memory_space<semaphore_mem>>
      %dma_start3A_281 = arith.constant 0 : i32
      %dma_start3A_282 = tpu.memref_slice %arg13[%add3A_38, %dma_start3A_281] : memref<10240x64xf32, #tpu.memory_space<vmem_shared>> -> memref<128x64xf32, #tpu.memory_space<vmem_shared>>
      %dma_start3A_283 = arith.constant 0 : i32
      %dma_start3A_284 = tpu.memref_slice %arg13[%add3A_38, %dma_start3A_283] : memref<10240x64xf32, #tpu.memory_space<vmem_shared>> -> memref<128x64xf32, #tpu.memory_space<vmem_shared>>
      tpu.enqueue_dma source(%arg12 : memref<128x64xf32, #tpu.memory_space<vmem>>) target(%dma_start3A_284 : memref<128x64xf32, #tpu.memory_space<vmem_shared>>) target_semaphore(%run_scoped3A : memref<!tpu.dma_semaphore, #tpu.memory_space<semaphore_mem>>)
      %dma_wait3A_285 = arith.constant 0 : i32
      %dma_wait3A_286 = tpu.memref_slice %arg13[%add3A_38, %dma_wait3A_285] : memref<10240x64xf32, #tpu.memory_space<vmem_shared>> -> memref<128x64xf32, #tpu.memory_space<vmem_shared>>
      %dma_wait3A_287 = arith.constant 0 : i32
      %dma_wait3A_288 = tpu.memref_slice %arg13[%add3A_38, %dma_wait3A_287] : memref<10240x64xf32, #tpu.memory_space<vmem_shared>> -> memref<128x64xf32, #tpu.memory_space<vmem_shared>>
      tpu.wait_dma2 semaphore(%run_scoped3A : memref<!tpu.dma_semaphore, #tpu.memory_space<semaphore_mem>>) src(%arg12 : memref<128x64xf32, #tpu.memory_space<vmem>>) dst(%dma_wait3A_288 : memref<128x64xf32, #tpu.memory_space<vmem_shared>>)
      tpu.yield
    }) : () -> ()
    %dma_wait3A = arith.constant 0 : i32
    %dma_wait3A_39 = arith.constant 0 : i32
    %dma_wait3A_40 = tpu.memref_slice %arg3[%arg1, %dma_wait3A, %dma_wait3A_39] : memref<16x250x80xi32, #tpu.memory_space<hbm>> -> memref<1x250x80xi32, #tpu.memory_space<hbm>>
    %dma_wait3A_41 = tpu.memref_squeeze %dma_wait3A_40 : memref<1x250x80xi32, #tpu.memory_space<hbm>> -> memref<250x80xi32, #tpu.memory_space<hbm>>
    %dma_wait3A_42 = arith.constant 0 : i32
    %dma_wait3A_43 = arith.constant 0 : i32
    %dma_wait3A_44 = tpu.memref_slice %arg3[%arg1, %dma_wait3A_42, %dma_wait3A_43] : memref<16x250x80xi32, #tpu.memory_space<hbm>> -> memref<1x250x80xi32, #tpu.memory_space<hbm>>
    %dma_wait3A_45 = tpu.memref_squeeze %dma_wait3A_44 : memref<1x250x80xi32, #tpu.memory_space<hbm>> -> memref<250x80xi32, #tpu.memory_space<hbm>>
    tpu.wait_dma2 semaphore(%arg14 : memref<!tpu.dma_semaphore, #tpu.memory_space<semaphore_mem>>) src(%dma_wait3A_45 : memref<250x80xi32, #tpu.memory_space<hbm>>) dst(%arg6 : memref<250x80xi32, #tpu.memory_space<vmem>>)
    %dma_wait3A_46 = arith.constant 0 : i32
    %dma_wait3A_47 = arith.constant 0 : i32
    %dma_wait3A_48 = tpu.memref_slice %arg4[%arg1, %dma_wait3A_46, %dma_wait3A_47] : memref<16x250x80xi32, #tpu.memory_space<hbm>> -> memref<1x250x80xi32, #tpu.memory_space<hbm>>
    %dma_wait3A_49 = tpu.memref_squeeze %dma_wait3A_48 : memref<1x250x80xi32, #tpu.memory_space<hbm>> -> memref<250x80xi32, #tpu.memory_space<hbm>>
    %dma_wait3A_50 = arith.constant 0 : i32
    %dma_wait3A_51 = arith.constant 0 : i32
    %dma_wait3A_52 = tpu.memref_slice %arg4[%arg1, %dma_wait3A_50, %dma_wait3A_51] : memref<16x250x80xi32, #tpu.memory_space<hbm>> -> memref<1x250x80xi32, #tpu.memory_space<hbm>>
    %dma_wait3A_53 = tpu.memref_squeeze %dma_wait3A_52 : memref<1x250x80xi32, #tpu.memory_space<hbm>> -> memref<250x80xi32, #tpu.memory_space<hbm>>
    tpu.wait_dma2 semaphore(%arg15 : memref<!tpu.dma_semaphore, #tpu.memory_space<semaphore_mem>>) src(%dma_wait3A_53 : memref<250x80xi32, #tpu.memory_space<hbm>>) dst(%arg7 : memref<250x80xi32, #tpu.memory_space<vmem>>)
    %barrier3A = arith.constant 0 : index
    tpu.barrier barrier_id(%barrier3A)
    %dma_start3A_54 = arith.constant 0 : i32
    %dma_start3A_55 = arith.constant 0 : i32
    %dma_start3A_56 = tpu.memref_slice %arg6[%dma_start3A_54, %dma_start3A_55] : memref<250x80xi32, #tpu.memory_space<vmem>> -> memref<1x80xi32, #tpu.memory_space<vmem>>
    %dma_start3A_57 = tpu.memref_squeeze %dma_start3A_56 : memref<1x80xi32, #tpu.memory_space<vmem>> -> memref<80xi32, #tpu.memory_space<vmem>>
    %dma_start3A_58 = arith.constant 0 : i32
    %dma_start3A_59 = arith.constant 0 : i32
    %dma_start3A_60 = tpu.memref_slice %arg2[%arg0, %dma_start3A_58, %dma_start3A_59] : memref<2x10000x64xf32, #tpu.memory_space<hbm>> -> memref<1x10000x64xf32, #tpu.memory_space<hbm>>
    %dma_start3A_61 = tpu.memref_squeeze %dma_start3A_60 : memref<1x10000x64xf32, #tpu.memory_space<hbm>> -> memref<10000x64xf32, #tpu.memory_space<hbm>>
    %dma_start3A_62 = arith.constant 0 : i32
    %dma_start3A_63 = arith.constant 0 : i32
    %dma_start3A_64 = tpu.memref_slice %dma_start3A_61[%dma_start3A_62, %dma_start3A_63] : memref<10000x64xf32, #tpu.memory_space<hbm>> -> memref<10000x64xf32, #tpu.memory_space<hbm>>
    tpu.enqueue_indirect_dma source(%dma_start3A_64 : memref<10000x64xf32, #tpu.memory_space<hbm>>) target(%arg8 : memref<80x64xf32, #tpu.memory_space<vmem>>) offsets(%dma_start3A_57 : memref<80xi32, #tpu.memory_space<vmem>>) semaphore(%arg14 : memref<!tpu.dma_semaphore, #tpu.memory_space<semaphore_mem>>)
    %dma_start3A_65 = arith.constant 1 : i32
    %dma_start3A_66 = arith.constant 0 : i32
    %dma_start3A_67 = tpu.memref_slice %arg6[%dma_start3A_65, %dma_start3A_66] : memref<250x80xi32, #tpu.memory_space<vmem>> -> memref<1x80xi32, #tpu.memory_space<vmem>>
    %dma_start3A_68 = tpu.memref_squeeze %dma_start3A_67 : memref<1x80xi32, #tpu.memory_space<vmem>> -> memref<80xi32, #tpu.memory_space<vmem>>
    %dma_start3A_69 = arith.constant 0 : i32
    %dma_start3A_70 = arith.constant 0 : i32
    %dma_start3A_71 = tpu.memref_slice %arg2[%arg0, %dma_start3A_69, %dma_start3A_70] : memref<2x10000x64xf32, #tpu.memory_space<hbm>> -> memref<1x10000x64xf32, #tpu.memory_space<hbm>>
    %dma_start3A_72 = tpu.memref_squeeze %dma_start3A_71 : memref<1x10000x64xf32, #tpu.memory_space<hbm>> -> memref<10000x64xf32, #tpu.memory_space<hbm>>
    %dma_start3A_73 = arith.constant 0 : i32
    %dma_start3A_74 = arith.constant 0 : i32
    %dma_start3A_75 = tpu.memref_slice %dma_start3A_72[%dma_start3A_73, %dma_start3A_74] : memref<10000x64xf32, #tpu.memory_space<hbm>> -> memref<10000x64xf32, #tpu.memory_space<hbm>>
    tpu.enqueue_indirect_dma source(%dma_start3A_75 : memref<10000x64xf32, #tpu.memory_space<hbm>>) target(%arg9 : memref<80x64xf32, #tpu.memory_space<vmem>>) offsets(%dma_start3A_68 : memref<80xi32, #tpu.memory_space<vmem>>) semaphore(%arg15 : memref<!tpu.dma_semaphore, #tpu.memory_space<semaphore_mem>>)
    %dma_wait3A_76 = arith.constant 0 : i32
    %dma_wait3A_77 = arith.constant 0 : i32
    %dma_wait3A_78 = tpu.memref_slice %arg6[%dma_wait3A_76, %dma_wait3A_77] : memref<250x80xi32, #tpu.memory_space<vmem>> -> memref<1x80xi32, #tpu.memory_space<vmem>>
    %dma_wait3A_79 = tpu.memref_squeeze %dma_wait3A_78 : memref<1x80xi32, #tpu.memory_space<vmem>> -> memref<80xi32, #tpu.memory_space<vmem>>
    %dma_wait3A_80 = arith.constant 0 : i32
    %dma_wait3A_81 = arith.constant 0 : i32
    %dma_wait3A_82 = tpu.memref_slice %arg2[%arg0, %dma_wait3A_80, %dma_wait3A_81] : memref<2x10000x64xf32, #tpu.memory_space<hbm>> -> memref<1x10000x64xf32, #tpu.memory_space<hbm>>
    %dma_wait3A_83 = tpu.memref_squeeze %dma_wait3A_82 : memref<1x10000x64xf32, #tpu.memory_space<hbm>> -> memref<10000x64xf32, #tpu.memory_space<hbm>>
    %dma_wait3A_84 = arith.constant 0 : i32
    %dma_wait3A_85 = arith.constant 0 : i32
    %dma_wait3A_86 = tpu.memref_slice %dma_wait3A_83[%dma_wait3A_84, %dma_wait3A_85] : memref<10000x64xf32, #tpu.memory_space<hbm>> -> memref<10000x64xf32, #tpu.memory_space<hbm>>
    tpu.wait_indirect_dma semaphore(%arg14 : memref<!tpu.dma_semaphore, #tpu.memory_space<semaphore_mem>>) src(%dma_wait3A_86 : memref<10000x64xf32, #tpu.memory_space<hbm>>) dst(%arg8 : memref<80x64xf32, #tpu.memory_space<vmem>>)
    %dma_start3A_87 = arith.constant 0 : i32
    %dma_start3A_88 = arith.constant 0 : i32
    %dma_start3A_89 = tpu.memref_slice %arg7[%dma_start3A_87, %dma_start3A_88] : memref<250x80xi32, #tpu.memory_space<vmem>> -> memref<1x80xi32, #tpu.memory_space<vmem>>
    %dma_start3A_90 = tpu.memref_squeeze %dma_start3A_89 : memref<1x80xi32, #tpu.memory_space<vmem>> -> memref<80xi32, #tpu.memory_space<vmem>>
    %dma_start3A_91 = arith.constant 0 : i32
    %dma_start3A_92 = arith.constant 0 : i32
    %dma_start3A_93 = tpu.memref_slice %arg13[%dma_start3A_91, %dma_start3A_92] : memref<10240x64xf32, #tpu.memory_space<vmem_shared>> -> memref<10240x64xf32, #tpu.memory_space<vmem_shared>>
    tpu.enqueue_indirect_dma source(%arg8 : memref<80x64xf32, #tpu.memory_space<vmem>>) target(%dma_start3A_93 : memref<10240x64xf32, #tpu.memory_space<vmem_shared>>) offsets(%dma_start3A_90 : memref<80xi32, #tpu.memory_space<vmem>>) semaphore(%arg18 : memref<!tpu.dma_semaphore, #tpu.memory_space<semaphore_mem>>) {add = true}
    %dma_start3A_94 = arith.constant 2 : i32
    %dma_start3A_95 = arith.constant 0 : i32
    %dma_start3A_96 = tpu.memref_slice %arg6[%dma_start3A_94, %dma_start3A_95] : memref<250x80xi32, #tpu.memory_space<vmem>> -> memref<1x80xi32, #tpu.memory_space<vmem>>
    %dma_start3A_97 = tpu.memref_squeeze %dma_start3A_96 : memref<1x80xi32, #tpu.memory_space<vmem>> -> memref<80xi32, #tpu.memory_space<vmem>>
    %dma_start3A_98 = arith.constant 0 : i32
    %dma_start3A_99 = arith.constant 0 : i32
    %dma_start3A_100 = tpu.memref_slice %arg2[%arg0, %dma_start3A_98, %dma_start3A_99] : memref<2x10000x64xf32, #tpu.memory_space<hbm>> -> memref<1x10000x64xf32, #tpu.memory_space<hbm>>
    %dma_start3A_101 = tpu.memref_squeeze %dma_start3A_100 : memref<1x10000x64xf32, #tpu.memory_space<hbm>> -> memref<10000x64xf32, #tpu.memory_space<hbm>>
    %dma_start3A_102 = arith.constant 0 : i32
    %dma_start3A_103 = arith.constant 0 : i32
    %dma_start3A_104 = tpu.memref_slice %dma_start3A_101[%dma_start3A_102, %dma_start3A_103] : memref<10000x64xf32, #tpu.memory_space<hbm>> -> memref<10000x64xf32, #tpu.memory_space<hbm>>
    tpu.enqueue_indirect_dma source(%dma_start3A_104 : memref<10000x64xf32, #tpu.memory_space<hbm>>) target(%arg10 : memref<80x64xf32, #tpu.memory_space<vmem>>) offsets(%dma_start3A_97 : memref<80xi32, #tpu.memory_space<vmem>>) semaphore(%arg16 : memref<!tpu.dma_semaphore, #tpu.memory_space<semaphore_mem>>)
    %dma_wait3A_105 = arith.constant 1 : i32
    %dma_wait3A_106 = arith.constant 0 : i32
    %dma_wait3A_107 = tpu.memref_slice %arg6[%dma_wait3A_105, %dma_wait3A_106] : memref<250x80xi32, #tpu.memory_space<vmem>> -> memref<1x80xi32, #tpu.memory_space<vmem>>
    %dma_wait3A_108 = tpu.memref_squeeze %dma_wait3A_107 : memref<1x80xi32, #tpu.memory_space<vmem>> -> memref<80xi32, #tpu.memory_space<vmem>>
    %dma_wait3A_109 = arith.constant 0 : i32
    %dma_wait3A_110 = arith.constant 0 : i32
    %dma_wait3A_111 = tpu.memref_slice %arg2[%arg0, %dma_wait3A_109, %dma_wait3A_110] : memref<2x10000x64xf32, #tpu.memory_space<hbm>> -> memref<1x10000x64xf32, #tpu.memory_space<hbm>>
    %dma_wait3A_112 = tpu.memref_squeeze %dma_wait3A_111 : memref<1x10000x64xf32, #tpu.memory_space<hbm>> -> memref<10000x64xf32, #tpu.memory_space<hbm>>
    %dma_wait3A_113 = arith.constant 0 : i32
    %dma_wait3A_114 = arith.constant 0 : i32
    %dma_wait3A_115 = tpu.memref_slice %dma_wait3A_112[%dma_wait3A_113, %dma_wait3A_114] : memref<10000x64xf32, #tpu.memory_space<hbm>> -> memref<10000x64xf32, #tpu.memory_space<hbm>>
    tpu.wait_indirect_dma semaphore(%arg15 : memref<!tpu.dma_semaphore, #tpu.memory_space<semaphore_mem>>) src(%dma_wait3A_115 : memref<10000x64xf32, #tpu.memory_space<hbm>>) dst(%arg9 : memref<80x64xf32, #tpu.memory_space<vmem>>)
    %dma_start3A_116 = arith.constant 1 : i32
    %dma_start3A_117 = arith.constant 0 : i32
    %dma_start3A_118 = tpu.memref_slice %arg7[%dma_start3A_116, %dma_start3A_117] : memref<250x80xi32, #tpu.memory_space<vmem>> -> memref<1x80xi32, #tpu.memory_space<vmem>>
    %dma_start3A_119 = tpu.memref_squeeze %dma_start3A_118 : memref<1x80xi32, #tpu.memory_space<vmem>> -> memref<80xi32, #tpu.memory_space<vmem>>
    %dma_start3A_120 = arith.constant 0 : i32
    %dma_start3A_121 = arith.constant 0 : i32
    %dma_start3A_122 = tpu.memref_slice %arg13[%dma_start3A_120, %dma_start3A_121] : memref<10240x64xf32, #tpu.memory_space<vmem_shared>> -> memref<10240x64xf32, #tpu.memory_space<vmem_shared>>
    tpu.enqueue_indirect_dma source(%arg9 : memref<80x64xf32, #tpu.memory_space<vmem>>) target(%dma_start3A_122 : memref<10240x64xf32, #tpu.memory_space<vmem_shared>>) offsets(%dma_start3A_119 : memref<80xi32, #tpu.memory_space<vmem>>) semaphore(%arg19 : memref<!tpu.dma_semaphore, #tpu.memory_space<semaphore_mem>>) {add = true}
    %dma_start3A_123 = arith.constant 3 : i32
    %dma_start3A_124 = arith.constant 0 : i32
    %dma_start3A_125 = tpu.memref_slice %arg6[%dma_start3A_123, %dma_start3A_124] : memref<250x80xi32, #tpu.memory_space<vmem>> -> memref<1x80xi32, #tpu.memory_space<vmem>>
    %dma_start3A_126 = tpu.memref_squeeze %dma_start3A_125 : memref<1x80xi32, #tpu.memory_space<vmem>> -> memref<80xi32, #tpu.memory_space<vmem>>
    %dma_start3A_127 = arith.constant 0 : i32
    %dma_start3A_128 = arith.constant 0 : i32
    %dma_start3A_129 = tpu.memref_slice %arg2[%arg0, %dma_start3A_127, %dma_start3A_128] : memref<2x10000x64xf32, #tpu.memory_space<hbm>> -> memref<1x10000x64xf32, #tpu.memory_space<hbm>>
    %dma_start3A_130 = tpu.memref_squeeze %dma_start3A_129 : memref<1x10000x64xf32, #tpu.memory_space<hbm>> -> memref<10000x64xf32, #tpu.memory_space<hbm>>
    %dma_start3A_131 = arith.constant 0 : i32
    %dma_start3A_132 = arith.constant 0 : i32
    %dma_start3A_133 = tpu.memref_slice %dma_start3A_130[%dma_start3A_131, %dma_start3A_132] : memref<10000x64xf32, #tpu.memory_space<hbm>> -> memref<10000x64xf32, #tpu.memory_space<hbm>>
    tpu.enqueue_indirect_dma source(%dma_start3A_133 : memref<10000x64xf32, #tpu.memory_space<hbm>>) target(%arg11 : memref<80x64xf32, #tpu.memory_space<vmem>>) offsets(%dma_start3A_126 : memref<80xi32, #tpu.memory_space<vmem>>) semaphore(%arg17 : memref<!tpu.dma_semaphore, #tpu.memory_space<semaphore_mem>>)
    %scan3A_134 = arith.constant 0 : i32
    %scan3A_135 = arith.constant 0 : i32
    %scan3A_136 = arith.constant 61 : i32
    %scan3A_137 = arith.addi %scan3A_135, %scan3A_136 : i32
    %scan3A_138 = arith.constant 1 : i32
    scf.for %scan3A_281 = %scan3A_135 to %scan3A_137 step %scan3A_138  : i32 {
      %mul3A_282 = arith.constant 4 : i32
      %mul3A_283 = arith.muli %mul3A_282, %scan3A_281 : i32
      %add3A_284 = arith.constant 2 : i32
      %add3A_285 = arith.addi %add3A_284, %mul3A_283 : i32
      %add3A_286 = arith.constant 0 : i32
      %add3A_287 = arith.addi %add3A_285, %add3A_286 : i32
      %dma_wait3A_288 = arith.constant 0 : i32
      %dma_wait3A_289 = tpu.memref_slice %arg6[%add3A_287, %dma_wait3A_288] : memref<250x80xi32, #tpu.memory_space<vmem>> -> memref<1x80xi32, #tpu.memory_space<vmem>>
      %dma_wait3A_290 = tpu.memref_squeeze %dma_wait3A_289 : memref<1x80xi32, #tpu.memory_space<vmem>> -> memref<80xi32, #tpu.memory_space<vmem>>
      %dma_wait3A_291 = arith.constant 0 : i32
      %dma_wait3A_292 = arith.constant 0 : i32
      %dma_wait3A_293 = tpu.memref_slice %arg2[%arg0, %dma_wait3A_291, %dma_wait3A_292] : memref<2x10000x64xf32, #tpu.memory_space<hbm>> -> memref<1x10000x64xf32, #tpu.memory_space<hbm>>
      %dma_wait3A_294 = tpu.memref_squeeze %dma_wait3A_293 : memref<1x10000x64xf32, #tpu.memory_space<hbm>> -> memref<10000x64xf32, #tpu.memory_space<hbm>>
      %dma_wait3A_295 = arith.constant 0 : i32
      %dma_wait3A_296 = arith.constant 0 : i32
      %dma_wait3A_297 = tpu.memref_slice %dma_wait3A_294[%dma_wait3A_295, %dma_wait3A_296] : memref<10000x64xf32, #tpu.memory_space<hbm>> -> memref<10000x64xf32, #tpu.memory_space<hbm>>
      tpu.wait_indirect_dma semaphore(%arg16 : memref<!tpu.dma_semaphore, #tpu.memory_space<semaphore_mem>>) src(%dma_wait3A_297 : memref<10000x64xf32, #tpu.memory_space<hbm>>) dst(%arg10 : memref<80x64xf32, #tpu.memory_space<vmem>>)
      %dma_start3A_298 = arith.constant 0 : i32
      %dma_start3A_299 = tpu.memref_slice %arg7[%add3A_287, %dma_start3A_298] : memref<250x80xi32, #tpu.memory_space<vmem>> -> memref<1x80xi32, #tpu.memory_space<vmem>>
      %dma_start3A_300 = tpu.memref_squeeze %dma_start3A_299 : memref<1x80xi32, #tpu.memory_space<vmem>> -> memref<80xi32, #tpu.memory_space<vmem>>
      %dma_start3A_301 = arith.constant 0 : i32
      %dma_start3A_302 = arith.constant 0 : i32
      %dma_start3A_303 = tpu.memref_slice %arg13[%dma_start3A_301, %dma_start3A_302] : memref<10240x64xf32, #tpu.memory_space<vmem_shared>> -> memref<10240x64xf32, #tpu.memory_space<vmem_shared>>
      tpu.enqueue_indirect_dma source(%arg10 : memref<80x64xf32, #tpu.memory_space<vmem>>) target(%dma_start3A_303 : memref<10240x64xf32, #tpu.memory_space<vmem_shared>>) offsets(%dma_start3A_300 : memref<80xi32, #tpu.memory_space<vmem>>) semaphore(%arg20 : memref<!tpu.dma_semaphore, #tpu.memory_space<semaphore_mem>>) {add = true}
      %sub3A = arith.constant 2 : i32
      %sub3A_304 = arith.subi %add3A_287, %sub3A : i32
      %dma_wait3A_305 = arith.constant 0 : i32
      %dma_wait3A_306 = tpu.memref_slice %arg7[%sub3A_304, %dma_wait3A_305] : memref<250x80xi32, #tpu.memory_space<vmem>> -> memref<1x80xi32, #tpu.memory_space<vmem>>
      %dma_wait3A_307 = tpu.memref_squeeze %dma_wait3A_306 : memref<1x80xi32, #tpu.memory_space<vmem>> -> memref<80xi32, #tpu.memory_space<vmem>>
      %dma_wait3A_308 = arith.constant 0 : i32
      %dma_wait3A_309 = arith.constant 0 : i32
      %dma_wait3A_310 = tpu.memref_slice %arg13[%dma_wait3A_308, %dma_wait3A_309] : memref<10240x64xf32, #tpu.memory_space<vmem_shared>> -> memref<10240x64xf32, #tpu.memory_space<vmem_shared>>
      tpu.wait_indirect_dma semaphore(%arg18 : memref<!tpu.dma_semaphore, #tpu.memory_space<semaphore_mem>>) src(%arg8 : memref<80x64xf32, #tpu.memory_space<vmem>>) dst(%dma_wait3A_310 : memref<10240x64xf32, #tpu.memory_space<vmem_shared>>)
      %add3A_311 = arith.constant 2 : i32
      %add3A_312 = arith.addi %add3A_287, %add3A_311 : i32
      %dma_start3A_313 = arith.constant 0 : i32
      %dma_start3A_314 = tpu.memref_slice %arg6[%add3A_312, %dma_start3A_313] : memref<250x80xi32, #tpu.memory_space<vmem>> -> memref<1x80xi32, #tpu.memory_space<vmem>>
      %dma_start3A_315 = tpu.memref_squeeze %dma_start3A_314 : memref<1x80xi32, #tpu.memory_space<vmem>> -> memref<80xi32, #tpu.memory_space<vmem>>
      %dma_start3A_316 = arith.constant 0 : i32
      %dma_start3A_317 = arith.constant 0 : i32
      %dma_start3A_318 = tpu.memref_slice %arg2[%arg0, %dma_start3A_316, %dma_start3A_317] : memref<2x10000x64xf32, #tpu.memory_space<hbm>> -> memref<1x10000x64xf32, #tpu.memory_space<hbm>>
      %dma_start3A_319 = tpu.memref_squeeze %dma_start3A_318 : memref<1x10000x64xf32, #tpu.memory_space<hbm>> -> memref<10000x64xf32, #tpu.memory_space<hbm>>
      %dma_start3A_320 = arith.constant 0 : i32
      %dma_start3A_321 = arith.constant 0 : i32
      %dma_start3A_322 = tpu.memref_slice %dma_start3A_319[%dma_start3A_320, %dma_start3A_321] : memref<10000x64xf32, #tpu.memory_space<hbm>> -> memref<10000x64xf32, #tpu.memory_space<hbm>>
      tpu.enqueue_indirect_dma source(%dma_start3A_322 : memref<10000x64xf32, #tpu.memory_space<hbm>>) target(%arg8 : memref<80x64xf32, #tpu.memory_space<vmem>>) offsets(%dma_start3A_315 : memref<80xi32, #tpu.memory_space<vmem>>) semaphore(%arg14 : memref<!tpu.dma_semaphore, #tpu.memory_space<semaphore_mem>>)
      %add3A_323 = arith.constant 1 : i32
      %add3A_324 = arith.addi %add3A_285, %add3A_323 : i32
      %dma_wait3A_325 = arith.constant 0 : i32
      %dma_wait3A_326 = tpu.memref_slice %arg6[%add3A_324, %dma_wait3A_325] : memref<250x80xi32, #tpu.memory_space<vmem>> -> memref<1x80xi32, #tpu.memory_space<vmem>>
      %dma_wait3A_327 = tpu.memref_squeeze %dma_wait3A_326 : memref<1x80xi32, #tpu.memory_space<vmem>> -> memref<80xi32, #tpu.memory_space<vmem>>
      %dma_wait3A_328 = arith.constant 0 : i32
      %dma_wait3A_329 = arith.constant 0 : i32
      %dma_wait3A_330 = tpu.memref_slice %arg2[%arg0, %dma_wait3A_328, %dma_wait3A_329] : memref<2x10000x64xf32, #tpu.memory_space<hbm>> -> memref<1x10000x64xf32, #tpu.memory_space<hbm>>
      %dma_wait3A_331 = tpu.memref_squeeze %dma_wait3A_330 : memref<1x10000x64xf32, #tpu.memory_space<hbm>> -> memref<10000x64xf32, #tpu.memory_space<hbm>>
      %dma_wait3A_332 = arith.constant 0 : i32
      %dma_wait3A_333 = arith.constant 0 : i32
      %dma_wait3A_334 = tpu.memref_slice %dma_wait3A_331[%dma_wait3A_332, %dma_wait3A_333] : memref<10000x64xf32, #tpu.memory_space<hbm>> -> memref<10000x64xf32, #tpu.memory_space<hbm>>
      tpu.wait_indirect_dma semaphore(%arg17 : memref<!tpu.dma_semaphore, #tpu.memory_space<semaphore_mem>>) src(%dma_wait3A_334 : memref<10000x64xf32, #tpu.memory_space<hbm>>) dst(%arg11 : memref<80x64xf32, #tpu.memory_space<vmem>>)
      %dma_start3A_335 = arith.constant 0 : i32
      %dma_start3A_336 = tpu.memref_slice %arg7[%add3A_324, %dma_start3A_335] : memref<250x80xi32, #tpu.memory_space<vmem>> -> memref<1x80xi32, #tpu.memory_space<vmem>>
      %dma_start3A_337 = tpu.memref_squeeze %dma_start3A_336 : memref<1x80xi32, #tpu.memory_space<vmem>> -> memref<80xi32, #tpu.memory_space<vmem>>
      %dma_start3A_338 = arith.constant 0 : i32
      %dma_start3A_339 = arith.constant 0 : i32
      %dma_start3A_340 = tpu.memref_slice %arg13[%dma_start3A_338, %dma_start3A_339] : memref<10240x64xf32, #tpu.memory_space<vmem_shared>> -> memref<10240x64xf32, #tpu.memory_space<vmem_shared>>
      tpu.enqueue_indirect_dma source(%arg11 : memref<80x64xf32, #tpu.memory_space<vmem>>) target(%dma_start3A_340 : memref<10240x64xf32, #tpu.memory_space<vmem_shared>>) offsets(%dma_start3A_337 : memref<80xi32, #tpu.memory_space<vmem>>) semaphore(%arg21 : memref<!tpu.dma_semaphore, #tpu.memory_space<semaphore_mem>>) {add = true}
      %sub3A_341 = arith.constant 2 : i32
      %sub3A_342 = arith.subi %add3A_324, %sub3A_341 : i32
      %dma_wait3A_343 = arith.constant 0 : i32
      %dma_wait3A_344 = tpu.memref_slice %arg7[%sub3A_342, %dma_wait3A_343] : memref<250x80xi32, #tpu.memory_space<vmem>> -> memref<1x80xi32, #tpu.memory_space<vmem>>
      %dma_wait3A_345 = tpu.memref_squeeze %dma_wait3A_344 : memref<1x80xi32, #tpu.memory_space<vmem>> -> memref<80xi32, #tpu.memory_space<vmem>>
      %dma_wait3A_346 = arith.constant 0 : i32
      %dma_wait3A_347 = arith.constant 0 : i32
      %dma_wait3A_348 = tpu.memref_slice %arg13[%dma_wait3A_346, %dma_wait3A_347] : memref<10240x64xf32, #tpu.memory_space<vmem_shared>> -> memref<10240x64xf32, #tpu.memory_space<vmem_shared>>
      tpu.wait_indirect_dma semaphore(%arg19 : memref<!tpu.dma_semaphore, #tpu.memory_space<semaphore_mem>>) src(%arg9 : memref<80x64xf32, #tpu.memory_space<vmem>>) dst(%dma_wait3A_348 : memref<10240x64xf32, #tpu.memory_space<vmem_shared>>)
      %add3A_349 = arith.constant 2 : i32
      %add3A_350 = arith.addi %add3A_324, %add3A_349 : i32
      %dma_start3A_351 = arith.constant 0 : i32
      %dma_start3A_352 = tpu.memref_slice %arg6[%add3A_350, %dma_start3A_351] : memref<250x80xi32, #tpu.memory_space<vmem>> -> memref<1x80xi32, #tpu.memory_space<vmem>>
      %dma_start3A_353 = tpu.memref_squeeze %dma_start3A_352 : memref<1x80xi32, #tpu.memory_space<vmem>> -> memref<80xi32, #tpu.memory_space<vmem>>
      %dma_start3A_354 = arith.constant 0 : i32
      %dma_start3A_355 = arith.constant 0 : i32
      %dma_start3A_356 = tpu.memref_slice %arg2[%arg0, %dma_start3A_354, %dma_start3A_355] : memref<2x10000x64xf32, #tpu.memory_space<hbm>> -> memref<1x10000x64xf32, #tpu.memory_space<hbm>>
      %dma_start3A_357 = tpu.memref_squeeze %dma_start3A_356 : memref<1x10000x64xf32, #tpu.memory_space<hbm>> -> memref<10000x64xf32, #tpu.memory_space<hbm>>
      %dma_start3A_358 = arith.constant 0 : i32
      %dma_start3A_359 = arith.constant 0 : i32
      %dma_start3A_360 = tpu.memref_slice %dma_start3A_357[%dma_start3A_358, %dma_start3A_359] : memref<10000x64xf32, #tpu.memory_space<hbm>> -> memref<10000x64xf32, #tpu.memory_space<hbm>>
      tpu.enqueue_indirect_dma source(%dma_start3A_360 : memref<10000x64xf32, #tpu.memory_space<hbm>>) target(%arg9 : memref<80x64xf32, #tpu.memory_space<vmem>>) offsets(%dma_start3A_353 : memref<80xi32, #tpu.memory_space<vmem>>) semaphore(%arg15 : memref<!tpu.dma_semaphore, #tpu.memory_space<semaphore_mem>>)
      %add3A_361 = arith.constant 2 : i32
      %add3A_362 = arith.addi %add3A_285, %add3A_361 : i32
      %dma_wait3A_363 = arith.constant 0 : i32
      %dma_wait3A_364 = tpu.memref_slice %arg6[%add3A_362, %dma_wait3A_363] : memref<250x80xi32, #tpu.memory_space<vmem>> -> memref<1x80xi32, #tpu.memory_space<vmem>>
      %dma_wait3A_365 = tpu.memref_squeeze %dma_wait3A_364 : memref<1x80xi32, #tpu.memory_space<vmem>> -> memref<80xi32, #tpu.memory_space<vmem>>
      %dma_wait3A_366 = arith.constant 0 : i32
      %dma_wait3A_367 = arith.constant 0 : i32
      %dma_wait3A_368 = tpu.memref_slice %arg2[%arg0, %dma_wait3A_366, %dma_wait3A_367] : memref<2x10000x64xf32, #tpu.memory_space<hbm>> -> memref<1x10000x64xf32, #tpu.memory_space<hbm>>
      %dma_wait3A_369 = tpu.memref_squeeze %dma_wait3A_368 : memref<1x10000x64xf32, #tpu.memory_space<hbm>> -> memref<10000x64xf32, #tpu.memory_space<hbm>>
      %dma_wait3A_370 = arith.constant 0 : i32
      %dma_wait3A_371 = arith.constant 0 : i32
      %dma_wait3A_372 = tpu.memref_slice %dma_wait3A_369[%dma_wait3A_370, %dma_wait3A_371] : memref<10000x64xf32, #tpu.memory_space<hbm>> -> memref<10000x64xf32, #tpu.memory_space<hbm>>
      tpu.wait_indirect_dma semaphore(%arg14 : memref<!tpu.dma_semaphore, #tpu.memory_space<semaphore_mem>>) src(%dma_wait3A_372 : memref<10000x64xf32, #tpu.memory_space<hbm>>) dst(%arg8 : memref<80x64xf32, #tpu.memory_space<vmem>>)
      %dma_start3A_373 = arith.constant 0 : i32
      %dma_start3A_374 = tpu.memref_slice %arg7[%add3A_362, %dma_start3A_373] : memref<250x80xi32, #tpu.memory_space<vmem>> -> memref<1x80xi32, #tpu.memory_space<vmem>>
      %dma_start3A_375 = tpu.memref_squeeze %dma_start3A_374 : memref<1x80xi32, #tpu.memory_space<vmem>> -> memref<80xi32, #tpu.memory_space<vmem>>
      %dma_start3A_376 = arith.constant 0 : i32
      %dma_start3A_377 = arith.constant 0 : i32
      %dma_start3A_378 = tpu.memref_slice %arg13[%dma_start3A_376, %dma_start3A_377] : memref<10240x64xf32, #tpu.memory_space<vmem_shared>> -> memref<10240x64xf32, #tpu.memory_space<vmem_shared>>
      tpu.enqueue_indirect_dma source(%arg8 : memref<80x64xf32, #tpu.memory_space<vmem>>) target(%dma_start3A_378 : memref<10240x64xf32, #tpu.memory_space<vmem_shared>>) offsets(%dma_start3A_375 : memref<80xi32, #tpu.memory_space<vmem>>) semaphore(%arg18 : memref<!tpu.dma_semaphore, #tpu.memory_space<semaphore_mem>>) {add = true}
      %sub3A_379 = arith.constant 2 : i32
      %sub3A_380 = arith.subi %add3A_362, %sub3A_379 : i32
      %dma_wait3A_381 = arith.constant 0 : i32
      %dma_wait3A_382 = tpu.memref_slice %arg7[%sub3A_380, %dma_wait3A_381] : memref<250x80xi32, #tpu.memory_space<vmem>> -> memref<1x80xi32, #tpu.memory_space<vmem>>
      %dma_wait3A_383 = tpu.memref_squeeze %dma_wait3A_382 : memref<1x80xi32, #tpu.memory_space<vmem>> -> memref<80xi32, #tpu.memory_space<vmem>>
      %dma_wait3A_384 = arith.constant 0 : i32
      %dma_wait3A_385 = arith.constant 0 : i32
      %dma_wait3A_386 = tpu.memref_slice %arg13[%dma_wait3A_384, %dma_wait3A_385] : memref<10240x64xf32, #tpu.memory_space<vmem_shared>> -> memref<10240x64xf32, #tpu.memory_space<vmem_shared>>
      tpu.wait_indirect_dma semaphore(%arg20 : memref<!tpu.dma_semaphore, #tpu.memory_space<semaphore_mem>>) src(%arg10 : memref<80x64xf32, #tpu.memory_space<vmem>>) dst(%dma_wait3A_386 : memref<10240x64xf32, #tpu.memory_space<vmem_shared>>)
      %add3A_387 = arith.constant 2 : i32
      %add3A_388 = arith.addi %add3A_362, %add3A_387 : i32
      %dma_start3A_389 = arith.constant 0 : i32
      %dma_start3A_390 = tpu.memref_slice %arg6[%add3A_388, %dma_start3A_389] : memref<250x80xi32, #tpu.memory_space<vmem>> -> memref<1x80xi32, #tpu.memory_space<vmem>>
      %dma_start3A_391 = tpu.memref_squeeze %dma_start3A_390 : memref<1x80xi32, #tpu.memory_space<vmem>> -> memref<80xi32, #tpu.memory_space<vmem>>
      %dma_start3A_392 = arith.constant 0 : i32
      %dma_start3A_393 = arith.constant 0 : i32
      %dma_start3A_394 = tpu.memref_slice %arg2[%arg0, %dma_start3A_392, %dma_start3A_393] : memref<2x10000x64xf32, #tpu.memory_space<hbm>> -> memref<1x10000x64xf32, #tpu.memory_space<hbm>>
      %dma_start3A_395 = tpu.memref_squeeze %dma_start3A_394 : memref<1x10000x64xf32, #tpu.memory_space<hbm>> -> memref<10000x64xf32, #tpu.memory_space<hbm>>
      %dma_start3A_396 = arith.constant 0 : i32
      %dma_start3A_397 = arith.constant 0 : i32
      %dma_start3A_398 = tpu.memref_slice %dma_start3A_395[%dma_start3A_396, %dma_start3A_397] : memref<10000x64xf32, #tpu.memory_space<hbm>> -> memref<10000x64xf32, #tpu.memory_space<hbm>>
      tpu.enqueue_indirect_dma source(%dma_start3A_398 : memref<10000x64xf32, #tpu.memory_space<hbm>>) target(%arg10 : memref<80x64xf32, #tpu.memory_space<vmem>>) offsets(%dma_start3A_391 : memref<80xi32, #tpu.memory_space<vmem>>) semaphore(%arg16 : memref<!tpu.dma_semaphore, #tpu.memory_space<semaphore_mem>>)
      %add3A_399 = arith.constant 3 : i32
      %add3A_400 = arith.addi %add3A_285, %add3A_399 : i32
      %dma_wait3A_401 = arith.constant 0 : i32
      %dma_wait3A_402 = tpu.memref_slice %arg6[%add3A_400, %dma_wait3A_401] : memref<250x80xi32, #tpu.memory_space<vmem>> -> memref<1x80xi32, #tpu.memory_space<vmem>>
      %dma_wait3A_403 = tpu.memref_squeeze %dma_wait3A_402 : memref<1x80xi32, #tpu.memory_space<vmem>> -> memref<80xi32, #tpu.memory_space<vmem>>
      %dma_wait3A_404 = arith.constant 0 : i32
      %dma_wait3A_405 = arith.constant 0 : i32
      %dma_wait3A_406 = tpu.memref_slice %arg2[%arg0, %dma_wait3A_404, %dma_wait3A_405] : memref<2x10000x64xf32, #tpu.memory_space<hbm>> -> memref<1x10000x64xf32, #tpu.memory_space<hbm>>
      %dma_wait3A_407 = tpu.memref_squeeze %dma_wait3A_406 : memref<1x10000x64xf32, #tpu.memory_space<hbm>> -> memref<10000x64xf32, #tpu.memory_space<hbm>>
      %dma_wait3A_408 = arith.constant 0 : i32
      %dma_wait3A_409 = arith.constant 0 : i32
      %dma_wait3A_410 = tpu.memref_slice %dma_wait3A_407[%dma_wait3A_408, %dma_wait3A_409] : memref<10000x64xf32, #tpu.memory_space<hbm>> -> memref<10000x64xf32, #tpu.memory_space<hbm>>
      tpu.wait_indirect_dma semaphore(%arg15 : memref<!tpu.dma_semaphore, #tpu.memory_space<semaphore_mem>>) src(%dma_wait3A_410 : memref<10000x64xf32, #tpu.memory_space<hbm>>) dst(%arg9 : memref<80x64xf32, #tpu.memory_space<vmem>>)
      %dma_start3A_411 = arith.constant 0 : i32
      %dma_start3A_412 = tpu.memref_slice %arg7[%add3A_400, %dma_start3A_411] : memref<250x80xi32, #tpu.memory_space<vmem>> -> memref<1x80xi32, #tpu.memory_space<vmem>>
      %dma_start3A_413 = tpu.memref_squeeze %dma_start3A_412 : memref<1x80xi32, #tpu.memory_space<vmem>> -> memref<80xi32, #tpu.memory_space<vmem>>
      %dma_start3A_414 = arith.constant 0 : i32
      %dma_start3A_415 = arith.constant 0 : i32
      %dma_start3A_416 = tpu.memref_slice %arg13[%dma_start3A_414, %dma_start3A_415] : memref<10240x64xf32, #tpu.memory_space<vmem_shared>> -> memref<10240x64xf32, #tpu.memory_space<vmem_shared>>
      tpu.enqueue_indirect_dma source(%arg9 : memref<80x64xf32, #tpu.memory_space<vmem>>) target(%dma_start3A_416 : memref<10240x64xf32, #tpu.memory_space<vmem_shared>>) offsets(%dma_start3A_413 : memref<80xi32, #tpu.memory_space<vmem>>) semaphore(%arg19 : memref<!tpu.dma_semaphore, #tpu.memory_space<semaphore_mem>>) {add = true}
      %sub3A_417 = arith.constant 2 : i32
      %sub3A_418 = arith.subi %add3A_400, %sub3A_417 : i32
      %dma_wait3A_419 = arith.constant 0 : i32
      %dma_wait3A_420 = tpu.memref_slice %arg7[%sub3A_418, %dma_wait3A_419] : memref<250x80xi32, #tpu.memory_space<vmem>> -> memref<1x80xi32, #tpu.memory_space<vmem>>
      %dma_wait3A_421 = tpu.memref_squeeze %dma_wait3A_420 : memref<1x80xi32, #tpu.memory_space<vmem>> -> memref<80xi32, #tpu.memory_space<vmem>>
      %dma_wait3A_422 = arith.constant 0 : i32
      %dma_wait3A_423 = arith.constant 0 : i32
      %dma_wait3A_424 = tpu.memref_slice %arg13[%dma_wait3A_422, %dma_wait3A_423] : memref<10240x64xf32, #tpu.memory_space<vmem_shared>> -> memref<10240x64xf32, #tpu.memory_space<vmem_shared>>
      tpu.wait_indirect_dma semaphore(%arg21 : memref<!tpu.dma_semaphore, #tpu.memory_space<semaphore_mem>>) src(%arg11 : memref<80x64xf32, #tpu.memory_space<vmem>>) dst(%dma_wait3A_424 : memref<10240x64xf32, #tpu.memory_space<vmem_shared>>)
      %add3A_425 = arith.constant 2 : i32
      %add3A_426 = arith.addi %add3A_400, %add3A_425 : i32
      %dma_start3A_427 = arith.constant 0 : i32
      %dma_start3A_428 = tpu.memref_slice %arg6[%add3A_426, %dma_start3A_427] : memref<250x80xi32, #tpu.memory_space<vmem>> -> memref<1x80xi32, #tpu.memory_space<vmem>>
      %dma_start3A_429 = tpu.memref_squeeze %dma_start3A_428 : memref<1x80xi32, #tpu.memory_space<vmem>> -> memref<80xi32, #tpu.memory_space<vmem>>
      %dma_start3A_430 = arith.constant 0 : i32
      %dma_start3A_431 = arith.constant 0 : i32
      %dma_start3A_432 = tpu.memref_slice %arg2[%arg0, %dma_start3A_430, %dma_start3A_431] : memref<2x10000x64xf32, #tpu.memory_space<hbm>> -> memref<1x10000x64xf32, #tpu.memory_space<hbm>>
      %dma_start3A_433 = tpu.memref_squeeze %dma_start3A_432 : memref<1x10000x64xf32, #tpu.memory_space<hbm>> -> memref<10000x64xf32, #tpu.memory_space<hbm>>
      %dma_start3A_434 = arith.constant 0 : i32
      %dma_start3A_435 = arith.constant 0 : i32
      %dma_start3A_436 = tpu.memref_slice %dma_start3A_433[%dma_start3A_434, %dma_start3A_435] : memref<10000x64xf32, #tpu.memory_space<hbm>> -> memref<10000x64xf32, #tpu.memory_space<hbm>>
      tpu.enqueue_indirect_dma source(%dma_start3A_436 : memref<10000x64xf32, #tpu.memory_space<hbm>>) target(%arg11 : memref<80x64xf32, #tpu.memory_space<vmem>>) offsets(%dma_start3A_429 : memref<80xi32, #tpu.memory_space<vmem>>) semaphore(%arg17 : memref<!tpu.dma_semaphore, #tpu.memory_space<semaphore_mem>>)
    }
    %scan3A_139 = arith.constant 61 : i32
    %dma_wait3A_140 = arith.constant 246 : i32
    %dma_wait3A_141 = arith.constant 0 : i32
    %dma_wait3A_142 = tpu.memref_slice %arg6[%dma_wait3A_140, %dma_wait3A_141] : memref<250x80xi32, #tpu.memory_space<vmem>> -> memref<1x80xi32, #tpu.memory_space<vmem>>
    %dma_wait3A_143 = tpu.memref_squeeze %dma_wait3A_142 : memref<1x80xi32, #tpu.memory_space<vmem>> -> memref<80xi32, #tpu.memory_space<vmem>>
    %dma_wait3A_144 = arith.constant 0 : i32
    %dma_wait3A_145 = arith.constant 0 : i32
    %dma_wait3A_146 = tpu.memref_slice %arg2[%arg0, %dma_wait3A_144, %dma_wait3A_145] : memref<2x10000x64xf32, #tpu.memory_space<hbm>> -> memref<1x10000x64xf32, #tpu.memory_space<hbm>>
    %dma_wait3A_147 = tpu.memref_squeeze %dma_wait3A_146 : memref<1x10000x64xf32, #tpu.memory_space<hbm>> -> memref<10000x64xf32, #tpu.memory_space<hbm>>
    %dma_wait3A_148 = arith.constant 0 : i32
    %dma_wait3A_149 = arith.constant 0 : i32
    %dma_wait3A_150 = tpu.memref_slice %dma_wait3A_147[%dma_wait3A_148, %dma_wait3A_149] : memref<10000x64xf32, #tpu.memory_space<hbm>> -> memref<10000x64xf32, #tpu.memory_space<hbm>>
    tpu.wait_indirect_dma semaphore(%arg16 : memref<!tpu.dma_semaphore, #tpu.memory_space<semaphore_mem>>) src(%dma_wait3A_150 : memref<10000x64xf32, #tpu.memory_space<hbm>>) dst(%arg10 : memref<80x64xf32, #tpu.memory_space<vmem>>)
    %dma_start3A_151 = arith.constant 246 : i32
    %dma_start3A_152 = arith.constant 0 : i32
    %dma_start3A_153 = tpu.memref_slice %arg7[%dma_start3A_151, %dma_start3A_152] : memref<250x80xi32, #tpu.memory_space<vmem>> -> memref<1x80xi32, #tpu.memory_space<vmem>>
    %dma_start3A_154 = tpu.memref_squeeze %dma_start3A_153 : memref<1x80xi32, #tpu.memory_space<vmem>> -> memref<80xi32, #tpu.memory_space<vmem>>
    %dma_start3A_155 = arith.constant 0 : i32
    %dma_start3A_156 = arith.constant 0 : i32
    %dma_start3A_157 = tpu.memref_slice %arg13[%dma_start3A_155, %dma_start3A_156] : memref<10240x64xf32, #tpu.memory_space<vmem_shared>> -> memref<10240x64xf32, #tpu.memory_space<vmem_shared>>
    tpu.enqueue_indirect_dma source(%arg10 : memref<80x64xf32, #tpu.memory_space<vmem>>) target(%dma_start3A_157 : memref<10240x64xf32, #tpu.memory_space<vmem_shared>>) offsets(%dma_start3A_154 : memref<80xi32, #tpu.memory_space<vmem>>) semaphore(%arg20 : memref<!tpu.dma_semaphore, #tpu.memory_space<semaphore_mem>>) {add = true}
    %dma_wait3A_158 = arith.constant 244 : i32
    %dma_wait3A_159 = arith.constant 0 : i32
    %dma_wait3A_160 = tpu.memref_slice %arg7[%dma_wait3A_158, %dma_wait3A_159] : memref<250x80xi32, #tpu.memory_space<vmem>> -> memref<1x80xi32, #tpu.memory_space<vmem>>
    %dma_wait3A_161 = tpu.memref_squeeze %dma_wait3A_160 : memref<1x80xi32, #tpu.memory_space<vmem>> -> memref<80xi32, #tpu.memory_space<vmem>>
    %dma_wait3A_162 = arith.constant 0 : i32
    %dma_wait3A_163 = arith.constant 0 : i32
    %dma_wait3A_164 = tpu.memref_slice %arg13[%dma_wait3A_162, %dma_wait3A_163] : memref<10240x64xf32, #tpu.memory_space<vmem_shared>> -> memref<10240x64xf32, #tpu.memory_space<vmem_shared>>
    tpu.wait_indirect_dma semaphore(%arg18 : memref<!tpu.dma_semaphore, #tpu.memory_space<semaphore_mem>>) src(%arg8 : memref<80x64xf32, #tpu.memory_space<vmem>>) dst(%dma_wait3A_164 : memref<10240x64xf32, #tpu.memory_space<vmem_shared>>)
    %dma_start3A_165 = arith.constant 248 : i32
    %dma_start3A_166 = arith.constant 0 : i32
    %dma_start3A_167 = tpu.memref_slice %arg6[%dma_start3A_165, %dma_start3A_166] : memref<250x80xi32, #tpu.memory_space<vmem>> -> memref<1x80xi32, #tpu.memory_space<vmem>>
    %dma_start3A_168 = tpu.memref_squeeze %dma_start3A_167 : memref<1x80xi32, #tpu.memory_space<vmem>> -> memref<80xi32, #tpu.memory_space<vmem>>
    %dma_start3A_169 = arith.constant 0 : i32
    %dma_start3A_170 = arith.constant 0 : i32
    %dma_start3A_171 = tpu.memref_slice %arg2[%arg0, %dma_start3A_169, %dma_start3A_170] : memref<2x10000x64xf32, #tpu.memory_space<hbm>> -> memref<1x10000x64xf32, #tpu.memory_space<hbm>>
    %dma_start3A_172 = tpu.memref_squeeze %dma_start3A_171 : memref<1x10000x64xf32, #tpu.memory_space<hbm>> -> memref<10000x64xf32, #tpu.memory_space<hbm>>
    %dma_start3A_173 = arith.constant 0 : i32
    %dma_start3A_174 = arith.constant 0 : i32
    %dma_start3A_175 = tpu.memref_slice %dma_start3A_172[%dma_start3A_173, %dma_start3A_174] : memref<10000x64xf32, #tpu.memory_space<hbm>> -> memref<10000x64xf32, #tpu.memory_space<hbm>>
    tpu.enqueue_indirect_dma source(%dma_start3A_175 : memref<10000x64xf32, #tpu.memory_space<hbm>>) target(%arg8 : memref<80x64xf32, #tpu.memory_space<vmem>>) offsets(%dma_start3A_168 : memref<80xi32, #tpu.memory_space<vmem>>) semaphore(%arg14 : memref<!tpu.dma_semaphore, #tpu.memory_space<semaphore_mem>>)
    %dma_wait3A_176 = arith.constant 247 : i32
    %dma_wait3A_177 = arith.constant 0 : i32
    %dma_wait3A_178 = tpu.memref_slice %arg6[%dma_wait3A_176, %dma_wait3A_177] : memref<250x80xi32, #tpu.memory_space<vmem>> -> memref<1x80xi32, #tpu.memory_space<vmem>>
    %dma_wait3A_179 = tpu.memref_squeeze %dma_wait3A_178 : memref<1x80xi32, #tpu.memory_space<vmem>> -> memref<80xi32, #tpu.memory_space<vmem>>
    %dma_wait3A_180 = arith.constant 0 : i32
    %dma_wait3A_181 = arith.constant 0 : i32
    %dma_wait3A_182 = tpu.memref_slice %arg2[%arg0, %dma_wait3A_180, %dma_wait3A_181] : memref<2x10000x64xf32, #tpu.memory_space<hbm>> -> memref<1x10000x64xf32, #tpu.memory_space<hbm>>
    %dma_wait3A_183 = tpu.memref_squeeze %dma_wait3A_182 : memref<1x10000x64xf32, #tpu.memory_space<hbm>> -> memref<10000x64xf32, #tpu.memory_space<hbm>>
    %dma_wait3A_184 = arith.constant 0 : i32
    %dma_wait3A_185 = arith.constant 0 : i32
    %dma_wait3A_186 = tpu.memref_slice %dma_wait3A_183[%dma_wait3A_184, %dma_wait3A_185] : memref<10000x64xf32, #tpu.memory_space<hbm>> -> memref<10000x64xf32, #tpu.memory_space<hbm>>
    tpu.wait_indirect_dma semaphore(%arg17 : memref<!tpu.dma_semaphore, #tpu.memory_space<semaphore_mem>>) src(%dma_wait3A_186 : memref<10000x64xf32, #tpu.memory_space<hbm>>) dst(%arg11 : memref<80x64xf32, #tpu.memory_space<vmem>>)
    %dma_start3A_187 = arith.constant 247 : i32
    %dma_start3A_188 = arith.constant 0 : i32
    %dma_start3A_189 = tpu.memref_slice %arg7[%dma_start3A_187, %dma_start3A_188] : memref<250x80xi32, #tpu.memory_space<vmem>> -> memref<1x80xi32, #tpu.memory_space<vmem>>
    %dma_start3A_190 = tpu.memref_squeeze %dma_start3A_189 : memref<1x80xi32, #tpu.memory_space<vmem>> -> memref<80xi32, #tpu.memory_space<vmem>>
    %dma_start3A_191 = arith.constant 0 : i32
    %dma_start3A_192 = arith.constant 0 : i32
    %dma_start3A_193 = tpu.memref_slice %arg13[%dma_start3A_191, %dma_start3A_192] : memref<10240x64xf32, #tpu.memory_space<vmem_shared>> -> memref<10240x64xf32, #tpu.memory_space<vmem_shared>>
    tpu.enqueue_indirect_dma source(%arg11 : memref<80x64xf32, #tpu.memory_space<vmem>>) target(%dma_start3A_193 : memref<10240x64xf32, #tpu.memory_space<vmem_shared>>) offsets(%dma_start3A_190 : memref<80xi32, #tpu.memory_space<vmem>>) semaphore(%arg21 : memref<!tpu.dma_semaphore, #tpu.memory_space<semaphore_mem>>) {add = true}
    %dma_wait3A_194 = arith.constant 245 : i32
    %dma_wait3A_195 = arith.constant 0 : i32
    %dma_wait3A_196 = tpu.memref_slice %arg7[%dma_wait3A_194, %dma_wait3A_195] : memref<250x80xi32, #tpu.memory_space<vmem>> -> memref<1x80xi32, #tpu.memory_space<vmem>>
    %dma_wait3A_197 = tpu.memref_squeeze %dma_wait3A_196 : memref<1x80xi32, #tpu.memory_space<vmem>> -> memref<80xi32, #tpu.memory_space<vmem>>
    %dma_wait3A_198 = arith.constant 0 : i32
    %dma_wait3A_199 = arith.constant 0 : i32
    %dma_wait3A_200 = tpu.memref_slice %arg13[%dma_wait3A_198, %dma_wait3A_199] : memref<10240x64xf32, #tpu.memory_space<vmem_shared>> -> memref<10240x64xf32, #tpu.memory_space<vmem_shared>>
    tpu.wait_indirect_dma semaphore(%arg19 : memref<!tpu.dma_semaphore, #tpu.memory_space<semaphore_mem>>) src(%arg9 : memref<80x64xf32, #tpu.memory_space<vmem>>) dst(%dma_wait3A_200 : memref<10240x64xf32, #tpu.memory_space<vmem_shared>>)
    %dma_start3A_201 = arith.constant 249 : i32
    %dma_start3A_202 = arith.constant 0 : i32
    %dma_start3A_203 = tpu.memref_slice %arg6[%dma_start3A_201, %dma_start3A_202] : memref<250x80xi32, #tpu.memory_space<vmem>> -> memref<1x80xi32, #tpu.memory_space<vmem>>
    %dma_start3A_204 = tpu.memref_squeeze %dma_start3A_203 : memref<1x80xi32, #tpu.memory_space<vmem>> -> memref<80xi32, #tpu.memory_space<vmem>>
    %dma_start3A_205 = arith.constant 0 : i32
    %dma_start3A_206 = arith.constant 0 : i32
    %dma_start3A_207 = tpu.memref_slice %arg2[%arg0, %dma_start3A_205, %dma_start3A_206] : memref<2x10000x64xf32, #tpu.memory_space<hbm>> -> memref<1x10000x64xf32, #tpu.memory_space<hbm>>
    %dma_start3A_208 = tpu.memref_squeeze %dma_start3A_207 : memref<1x10000x64xf32, #tpu.memory_space<hbm>> -> memref<10000x64xf32, #tpu.memory_space<hbm>>
    %dma_start3A_209 = arith.constant 0 : i32
    %dma_start3A_210 = arith.constant 0 : i32
    %dma_start3A_211 = tpu.memref_slice %dma_start3A_208[%dma_start3A_209, %dma_start3A_210] : memref<10000x64xf32, #tpu.memory_space<hbm>> -> memref<10000x64xf32, #tpu.memory_space<hbm>>
    tpu.enqueue_indirect_dma source(%dma_start3A_211 : memref<10000x64xf32, #tpu.memory_space<hbm>>) target(%arg9 : memref<80x64xf32, #tpu.memory_space<vmem>>) offsets(%dma_start3A_204 : memref<80xi32, #tpu.memory_space<vmem>>) semaphore(%arg15 : memref<!tpu.dma_semaphore, #tpu.memory_space<semaphore_mem>>)
    %dma_wait3A_212 = arith.constant 248 : i32
    %dma_wait3A_213 = arith.constant 0 : i32
    %dma_wait3A_214 = tpu.memref_slice %arg6[%dma_wait3A_212, %dma_wait3A_213] : memref<250x80xi32, #tpu.memory_space<vmem>> -> memref<1x80xi32, #tpu.memory_space<vmem>>
    %dma_wait3A_215 = tpu.memref_squeeze %dma_wait3A_214 : memref<1x80xi32, #tpu.memory_space<vmem>> -> memref<80xi32, #tpu.memory_space<vmem>>
    %dma_wait3A_216 = arith.constant 0 : i32
    %dma_wait3A_217 = arith.constant 0 : i32
    %dma_wait3A_218 = tpu.memref_slice %arg2[%arg0, %dma_wait3A_216, %dma_wait3A_217] : memref<2x10000x64xf32, #tpu.memory_space<hbm>> -> memref<1x10000x64xf32, #tpu.memory_space<hbm>>
    %dma_wait3A_219 = tpu.memref_squeeze %dma_wait3A_218 : memref<1x10000x64xf32, #tpu.memory_space<hbm>> -> memref<10000x64xf32, #tpu.memory_space<hbm>>
    %dma_wait3A_220 = arith.constant 0 : i32
    %dma_wait3A_221 = arith.constant 0 : i32
    %dma_wait3A_222 = tpu.memref_slice %dma_wait3A_219[%dma_wait3A_220, %dma_wait3A_221] : memref<10000x64xf32, #tpu.memory_space<hbm>> -> memref<10000x64xf32, #tpu.memory_space<hbm>>
    tpu.wait_indirect_dma semaphore(%arg14 : memref<!tpu.dma_semaphore, #tpu.memory_space<semaphore_mem>>) src(%dma_wait3A_222 : memref<10000x64xf32, #tpu.memory_space<hbm>>) dst(%arg8 : memref<80x64xf32, #tpu.memory_space<vmem>>)
    %dma_start3A_223 = arith.constant 248 : i32
    %dma_start3A_224 = arith.constant 0 : i32
    %dma_start3A_225 = tpu.memref_slice %arg7[%dma_start3A_223, %dma_start3A_224] : memref<250x80xi32, #tpu.memory_space<vmem>> -> memref<1x80xi32, #tpu.memory_space<vmem>>
    %dma_start3A_226 = tpu.memref_squeeze %dma_start3A_225 : memref<1x80xi32, #tpu.memory_space<vmem>> -> memref<80xi32, #tpu.memory_space<vmem>>
    %dma_start3A_227 = arith.constant 0 : i32
    %dma_start3A_228 = arith.constant 0 : i32
    %dma_start3A_229 = tpu.memref_slice %arg13[%dma_start3A_227, %dma_start3A_228] : memref<10240x64xf32, #tpu.memory_space<vmem_shared>> -> memref<10240x64xf32, #tpu.memory_space<vmem_shared>>
    tpu.enqueue_indirect_dma source(%arg8 : memref<80x64xf32, #tpu.memory_space<vmem>>) target(%dma_start3A_229 : memref<10240x64xf32, #tpu.memory_space<vmem_shared>>) offsets(%dma_start3A_226 : memref<80xi32, #tpu.memory_space<vmem>>) semaphore(%arg18 : memref<!tpu.dma_semaphore, #tpu.memory_space<semaphore_mem>>) {add = true}
    %dma_wait3A_230 = arith.constant 246 : i32
    %dma_wait3A_231 = arith.constant 0 : i32
    %dma_wait3A_232 = tpu.memref_slice %arg7[%dma_wait3A_230, %dma_wait3A_231] : memref<250x80xi32, #tpu.memory_space<vmem>> -> memref<1x80xi32, #tpu.memory_space<vmem>>
    %dma_wait3A_233 = tpu.memref_squeeze %dma_wait3A_232 : memref<1x80xi32, #tpu.memory_space<vmem>> -> memref<80xi32, #tpu.memory_space<vmem>>
    %dma_wait3A_234 = arith.constant 0 : i32
    %dma_wait3A_235 = arith.constant 0 : i32
    %dma_wait3A_236 = tpu.memref_slice %arg13[%dma_wait3A_234, %dma_wait3A_235] : memref<10240x64xf32, #tpu.memory_space<vmem_shared>> -> memref<10240x64xf32, #tpu.memory_space<vmem_shared>>
    tpu.wait_indirect_dma semaphore(%arg20 : memref<!tpu.dma_semaphore, #tpu.memory_space<semaphore_mem>>) src(%arg10 : memref<80x64xf32, #tpu.memory_space<vmem>>) dst(%dma_wait3A_236 : memref<10240x64xf32, #tpu.memory_space<vmem_shared>>)
    %dma_wait3A_237 = arith.constant 249 : i32
    %dma_wait3A_238 = arith.constant 0 : i32
    %dma_wait3A_239 = tpu.memref_slice %arg6[%dma_wait3A_237, %dma_wait3A_238] : memref<250x80xi32, #tpu.memory_space<vmem>> -> memref<1x80xi32, #tpu.memory_space<vmem>>
    %dma_wait3A_240 = tpu.memref_squeeze %dma_wait3A_239 : memref<1x80xi32, #tpu.memory_space<vmem>> -> memref<80xi32, #tpu.memory_space<vmem>>
    %dma_wait3A_241 = arith.constant 0 : i32
    %dma_wait3A_242 = arith.constant 0 : i32
    %dma_wait3A_243 = tpu.memref_slice %arg2[%arg0, %dma_wait3A_241, %dma_wait3A_242] : memref<2x10000x64xf32, #tpu.memory_space<hbm>> -> memref<1x10000x64xf32, #tpu.memory_space<hbm>>
    %dma_wait3A_244 = tpu.memref_squeeze %dma_wait3A_243 : memref<1x10000x64xf32, #tpu.memory_space<hbm>> -> memref<10000x64xf32, #tpu.memory_space<hbm>>
    %dma_wait3A_245 = arith.constant 0 : i32
    %dma_wait3A_246 = arith.constant 0 : i32
    %dma_wait3A_247 = tpu.memref_slice %dma_wait3A_244[%dma_wait3A_245, %dma_wait3A_246] : memref<10000x64xf32, #tpu.memory_space<hbm>> -> memref<10000x64xf32, #tpu.memory_space<hbm>>
    tpu.wait_indirect_dma semaphore(%arg15 : memref<!tpu.dma_semaphore, #tpu.memory_space<semaphore_mem>>) src(%dma_wait3A_247 : memref<10000x64xf32, #tpu.memory_space<hbm>>) dst(%arg9 : memref<80x64xf32, #tpu.memory_space<vmem>>)
    %dma_start3A_248 = arith.constant 249 : i32
    %dma_start3A_249 = arith.constant 0 : i32
    %dma_start3A_250 = tpu.memref_slice %arg7[%dma_start3A_248, %dma_start3A_249] : memref<250x80xi32, #tpu.memory_space<vmem>> -> memref<1x80xi32, #tpu.memory_space<vmem>>
    %dma_start3A_251 = tpu.memref_squeeze %dma_start3A_250 : memref<1x80xi32, #tpu.memory_space<vmem>> -> memref<80xi32, #tpu.memory_space<vmem>>
    %dma_start3A_252 = arith.constant 0 : i32
    %dma_start3A_253 = arith.constant 0 : i32
    %dma_start3A_254 = tpu.memref_slice %arg13[%dma_start3A_252, %dma_start3A_253] : memref<10240x64xf32, #tpu.memory_space<vmem_shared>> -> memref<10240x64xf32, #tpu.memory_space<vmem_shared>>
    tpu.enqueue_indirect_dma source(%arg9 : memref<80x64xf32, #tpu.memory_space<vmem>>) target(%dma_start3A_254 : memref<10240x64xf32, #tpu.memory_space<vmem_shared>>) offsets(%dma_start3A_251 : memref<80xi32, #tpu.memory_space<vmem>>) semaphore(%arg19 : memref<!tpu.dma_semaphore, #tpu.memory_space<semaphore_mem>>) {add = true}
    %dma_wait3A_255 = arith.constant 247 : i32
    %dma_wait3A_256 = arith.constant 0 : i32
    %dma_wait3A_257 = tpu.memref_slice %arg7[%dma_wait3A_255, %dma_wait3A_256] : memref<250x80xi32, #tpu.memory_space<vmem>> -> memref<1x80xi32, #tpu.memory_space<vmem>>
    %dma_wait3A_258 = tpu.memref_squeeze %dma_wait3A_257 : memref<1x80xi32, #tpu.memory_space<vmem>> -> memref<80xi32, #tpu.memory_space<vmem>>
    %dma_wait3A_259 = arith.constant 0 : i32
    %dma_wait3A_260 = arith.constant 0 : i32
    %dma_wait3A_261 = tpu.memref_slice %arg13[%dma_wait3A_259, %dma_wait3A_260] : memref<10240x64xf32, #tpu.memory_space<vmem_shared>> -> memref<10240x64xf32, #tpu.memory_space<vmem_shared>>
    tpu.wait_indirect_dma semaphore(%arg21 : memref<!tpu.dma_semaphore, #tpu.memory_space<semaphore_mem>>) src(%arg11 : memref<80x64xf32, #tpu.memory_space<vmem>>) dst(%dma_wait3A_261 : memref<10240x64xf32, #tpu.memory_space<vmem_shared>>)
    %dma_wait3A_262 = arith.constant 248 : i32
    %dma_wait3A_263 = arith.constant 0 : i32
    %dma_wait3A_264 = tpu.memref_slice %arg7[%dma_wait3A_262, %dma_wait3A_263] : memref<250x80xi32, #tpu.memory_space<vmem>> -> memref<1x80xi32, #tpu.memory_space<vmem>>
    %dma_wait3A_265 = tpu.memref_squeeze %dma_wait3A_264 : memref<1x80xi32, #tpu.memory_space<vmem>> -> memref<80xi32, #tpu.memory_space<vmem>>
    %dma_wait3A_266 = arith.constant 0 : i32
    %dma_wait3A_267 = arith.constant 0 : i32
    %dma_wait3A_268 = tpu.memref_slice %arg13[%dma_wait3A_266, %dma_wait3A_267] : memref<10240x64xf32, #tpu.memory_space<vmem_shared>> -> memref<10240x64xf32, #tpu.memory_space<vmem_shared>>
    tpu.wait_indirect_dma semaphore(%arg18 : memref<!tpu.dma_semaphore, #tpu.memory_space<semaphore_mem>>) src(%arg8 : memref<80x64xf32, #tpu.memory_space<vmem>>) dst(%dma_wait3A_268 : memref<10240x64xf32, #tpu.memory_space<vmem_shared>>)
    %dma_wait3A_269 = arith.constant 249 : i32
    %dma_wait3A_270 = arith.constant 0 : i32
    %dma_wait3A_271 = tpu.memref_slice %arg7[%dma_wait3A_269, %dma_wait3A_270] : memref<250x80xi32, #tpu.memory_space<vmem>> -> memref<1x80xi32, #tpu.memory_space<vmem>>
    %dma_wait3A_272 = tpu.memref_squeeze %dma_wait3A_271 : memref<1x80xi32, #tpu.memory_space<vmem>> -> memref<80xi32, #tpu.memory_space<vmem>>
    %dma_wait3A_273 = arith.constant 0 : i32
    %dma_wait3A_274 = arith.constant 0 : i32
    %dma_wait3A_275 = tpu.memref_slice %arg13[%dma_wait3A_273, %dma_wait3A_274] : memref<10240x64xf32, #tpu.memory_space<vmem_shared>> -> memref<10240x64xf32, #tpu.memory_space<vmem_shared>>
    tpu.wait_indirect_dma semaphore(%arg19 : memref<!tpu.dma_semaphore, #tpu.memory_space<semaphore_mem>>) src(%arg9 : memref<80x64xf32, #tpu.memory_space<vmem>>) dst(%dma_wait3A_275 : memref<10240x64xf32, #tpu.memory_space<vmem_shared>>)
    %barrier3A_276 = arith.constant 0 : index
    tpu.barrier barrier_id(%barrier3A_276)
    %mul3A_277 = arith.constant 640 : i32
    %mul3A_278 = arith.muli %arg1, %mul3A_277 : i32
    %mul3A_279 = arith.constant 640 : i32
    %mul3A_280 = arith.muli %arg1, %mul3A_279 : i32
    "tpu.region"() ({
      %run_scoped3A = tpu.sem_alloc : memref<!tpu.dma_semaphore, #tpu.memory_space<semaphore_mem>>
      %dma_start3A_281 = arith.constant 0 : i32
      %dma_start3A_282 = tpu.memref_slice %arg5[%arg0, %mul3A_280, %dma_start3A_281] : memref<2x10240x64xf32, #tpu.memory_space<hbm>> -> memref<1x640x64xf32, #tpu.memory_space<hbm>>
      %dma_start3A_283 = tpu.memref_squeeze %dma_start3A_282 : memref<1x640x64xf32, #tpu.memory_space<hbm>> -> memref<640x64xf32, #tpu.memory_space<hbm>>
      %dma_start3A_284 = arith.constant 0 : i32
      %dma_start3A_285 = tpu.memref_slice %arg13[%mul3A_278, %dma_start3A_284] : memref<10240x64xf32, #tpu.memory_space<vmem_shared>> -> memref<640x64xf32, #tpu.memory_space<vmem_shared>>
      tpu.enqueue_dma source(%dma_start3A_285 : memref<640x64xf32, #tpu.memory_space<vmem_shared>>) target(%dma_start3A_283 : memref<640x64xf32, #tpu.memory_space<hbm>>) target_semaphore(%run_scoped3A : memref<!tpu.dma_semaphore, #tpu.memory_space<semaphore_mem>>)
      %dma_wait3A_286 = arith.constant 0 : i32
      %dma_wait3A_287 = tpu.memref_slice %arg5[%arg0, %mul3A_280, %dma_wait3A_286] : memref<2x10240x64xf32, #tpu.memory_space<hbm>> -> memref<1x640x64xf32, #tpu.memory_space<hbm>>
      %dma_wait3A_288 = tpu.memref_squeeze %dma_wait3A_287 : memref<1x640x64xf32, #tpu.memory_space<hbm>> -> memref<640x64xf32, #tpu.memory_space<hbm>>
      %dma_wait3A_289 = arith.constant 0 : i32
      %dma_wait3A_290 = tpu.memref_slice %arg13[%mul3A_278, %dma_wait3A_289] : memref<10240x64xf32, #tpu.memory_space<vmem_shared>> -> memref<640x64xf32, #tpu.memory_space<vmem_shared>>
      tpu.wait_dma2 semaphore(%run_scoped3A : memref<!tpu.dma_semaphore, #tpu.memory_space<semaphore_mem>>) src(%dma_wait3A_290 : memref<640x64xf32, #tpu.memory_space<vmem_shared>>) dst(%dma_wait3A_288 : memref<640x64xf32, #tpu.memory_space<hbm>>)
      tpu.yield
    }) : () -> ()
    return
  }
}

module attributes {stable_mosaic.version = 14 : i64} {
  func.func @_g_body(%arg0: i32, %arg1: memref<1000x128xf32, #tpu.memory_space<vmem>>, %arg2: memref<128x128xf32, #tpu.memory_space<vmem>>, %arg3: memref<2x1000x1xf32, #tpu.memory_space<vmem>>, %arg4: memref<2x1000x64xf32, #tpu.memory_space<vmem>>) attributes {dimension_semantics = [#tpu.dimension_semantics<arbitrary>], iteration_bounds = array<i64: 10>, scalar_prefetch = 0 : i64, scratch_operands = 0 : i64, tpu.core_type = #tpu.core_type<tc>, window_params = [{transform_indices = @transform_0, window_bounds = array<i64: 1000, 128>}, {pipeline_mode = #tpu.pipeline_mode<synchronous>, transform_indices = @transform_1, window_bounds = array<i64: 128, 128>}, {transform_indices = @transform_2, window_bounds = array<i64: 2, 1000, 1>}, {transform_indices = @transform_3, window_bounds = array<i64: 2, 1000, 64>}]} {
    %get3A = arith.constant 0 : index
    %get3A_0 = arith.constant 0 : index
    %get3A_1 = arith.constant 0 : index
    %get3A_2 = vector.load %arg3[%get3A, %get3A_0, %get3A_1] : memref<2x1000x1xf32, #tpu.memory_space<vmem>>, vector<2x1000x1xf32>
    %slice3A = vector.extract_strided_slice %get3A_2 {offsets = [0, 0, 0], sizes = [1, 1000, 1], strides = [1, 1, 1]} : vector<2x1000x1xf32> to vector<1x1000x1xf32>
    %squeeze3A = vector.shape_cast %slice3A : vector<1x1000x1xf32> to vector<1000x1xf32>
    %slice3A_3 = vector.extract_strided_slice %get3A_2 {offsets = [1, 0, 0], sizes = [1, 1000, 1], strides = [1, 1, 1]} : vector<2x1000x1xf32> to vector<1x1000x1xf32>
    %squeeze3A_4 = vector.shape_cast %slice3A_3 : vector<1x1000x1xf32> to vector<1000x1xf32>
    %add3A = arith.addf %squeeze3A, %squeeze3A_4 : vector<1000x1xf32>
    %add3A_5 = arith.constant 1.000000e+00 : f32
    %add3A_6 = vector.broadcast %add3A_5 : f32 to vector<1000x1xf32>
    %add3A_7 = arith.addf %add3A, %add3A_6 : vector<1000x1xf32>
    %rsqrt3A = math.rsqrt %add3A_7 : vector<1000x1xf32>
    %get3A_8 = arith.constant 0 : index
    %get3A_9 = arith.constant 0 : index
    %get3A_10 = vector.load %arg1[%get3A_8, %get3A_9] : memref<1000x128xf32, #tpu.memory_space<vmem>>, vector<1000x128xf32>
    %get3A_11 = arith.constant 0 : index
    %get3A_12 = arith.constant 0 : index
    %get3A_13 = vector.load %arg2[%get3A_11, %get3A_12] : memref<128x128xf32, #tpu.memory_space<vmem>>, vector<128x128xf32>
    %dot_general3A = arith.constant dense<0.000000e+00> : vector<1000x128xf32>
    %dot_general3A_14 = tpu.matmul %get3A_10, %get3A_13, %dot_general3A {dimension_numbers = #tpu.dot_dimension_numbers<[1], [0], [0], [1], [0, 0, 1, 1], [], []>, transpose_lhs_hint = false} : vector<1000x128xf32>, vector<128x128xf32>, vector<1000x128xf32> -> vector<1000x128xf32>
    %mul3A = vector.broadcast %rsqrt3A : vector<1000x1xf32> to vector<1000x128xf32>
    %mul3A_15 = arith.mulf %dot_general3A_14, %mul3A : vector<1000x128xf32>
    %slice3A_16 = vector.extract_strided_slice %mul3A_15 {offsets = [0, 0], sizes = [1000, 64], strides = [1, 1]} : vector<1000x128xf32> to vector<1000x64xf32>
    %swap3A = arith.constant 0 : index
    %swap3A_17 = arith.constant 0 : index
    %swap3A_18 = arith.constant 0 : index
    %swap3A_19 = vector.load %arg4[%swap3A, %swap3A_17, %swap3A_18] : memref<2x1000x64xf32, #tpu.memory_space<vmem>>, vector<1x1000x64xf32>
    %swap3A_20 = vector.shape_cast %swap3A_19 : vector<1x1000x64xf32> to vector<1000x64xf32>
    %swap3A_21 = vector.shape_cast %slice3A_16 : vector<1000x64xf32> to vector<1x1000x64xf32>
    tpu.vector_store %arg4[%swap3A, %swap3A_17, %swap3A_18], %swap3A_21 {strides = array<i32>} : memref<2x1000x64xf32, #tpu.memory_space<vmem>>, vector<1x1000x64xf32>,
    %slice3A_22 = vector.extract_strided_slice %mul3A_15 {offsets = [0, 64], sizes = [1000, 64], strides = [1, 1]} : vector<1000x128xf32> to vector<1000x64xf32>
    %swap3A_23 = arith.constant 1 : index
    %swap3A_24 = arith.constant 0 : index
    %swap3A_25 = arith.constant 0 : index
    %swap3A_26 = vector.load %arg4[%swap3A_23, %swap3A_24, %swap3A_25] : memref<2x1000x64xf32, #tpu.memory_space<vmem>>, vector<1x1000x64xf32>
    %swap3A_27 = vector.shape_cast %swap3A_26 : vector<1x1000x64xf32> to vector<1000x64xf32>
    %swap3A_28 = vector.shape_cast %slice3A_22 : vector<1000x64xf32> to vector<1x1000x64xf32>
    tpu.vector_store %arg4[%swap3A_23, %swap3A_24, %swap3A_25], %swap3A_28 {strides = array<i32>} : memref<2x1000x64xf32, #tpu.memory_space<vmem>>, vector<1x1000x64xf32>,
    return
  }
  func.func @transform_0(%arg0: i32) -> (i32, i32) {
    %c0_i32 = arith.constant 0 : i32
    %c0_i32_0 = arith.constant 0 : i32
    return %arg0, %c0_i32 : i32, i32
  }
  func.func @transform_1(%arg0: i32) -> (i32, i32) {
    %c0_i32 = arith.constant 0 : i32
    %c0_i32_0 = arith.constant 0 : i32
    %c0_i32_1 = arith.constant 0 : i32
    return %c0_i32, %c0_i32_0 : i32, i32
  }
  func.func @transform_2(%arg0: i32) -> (i32, i32, i32) {
    %c0_i32 = arith.constant 0 : i32
    %c0_i32_0 = arith.constant 0 : i32
    %c0_i32_1 = arith.constant 0 : i32
    return %c0_i32, %arg0, %c0_i32_0 : i32, i32, i32
  }
  func.func @transform_3(%arg0: i32) -> (i32, i32, i32) {
    %c0_i32 = arith.constant 0 : i32
    %c0_i32_0 = arith.constant 0 : i32
    %c0_i32_1 = arith.constant 0 : i32
    return %c0_i32, %arg0, %c0_i32_0 : i32, i32, i32
  }
}

module attributes {stable_mosaic.version = 14 : i64} {
  func.func @_out_body(%arg0: i32, %arg1: memref<2x1000x64xf32, #tpu.memory_space<vmem>>, %arg2: memref<2x1000x64xf32, #tpu.memory_space<vmem>>, %arg3: memref<1000x128xf32, #tpu.memory_space<vmem>>, %arg4: memref<2x1000x1xf32, #tpu.memory_space<vmem>>, %arg5: memref<128x128xf32, #tpu.memory_space<vmem>>, %arg6: memref<2x1x64xf32, #tpu.memory_space<vmem>>, %arg7: memref<1000x128xf32, #tpu.memory_space<vmem>>) attributes {dimension_semantics = [#tpu.dimension_semantics<arbitrary>], iteration_bounds = array<i64: 10>, scalar_prefetch = 0 : i64, scratch_operands = 0 : i64, tpu.core_type = #tpu.core_type<tc>, window_params = [{transform_indices = @transform_0, window_bounds = array<i64: 2, 1000, 64>}, {transform_indices = @transform_1, window_bounds = array<i64: 2, 1000, 64>}, {transform_indices = @transform_2, window_bounds = array<i64: 1000, 128>}, {transform_indices = @transform_3, window_bounds = array<i64: 2, 1000, 1>}, {pipeline_mode = #tpu.pipeline_mode<synchronous>, transform_indices = @transform_4, window_bounds = array<i64: 128, 128>}, {pipeline_mode = #tpu.pipeline_mode<synchronous>, transform_indices = @transform_5, window_bounds = array<i64: 2, 1, 64>}, {transform_indices = @transform_6, window_bounds = array<i64: 1000, 128>}]} {
    %get3A = arith.constant 0 : index
    %get3A_0 = arith.constant 0 : index
    %get3A_1 = arith.constant 0 : index
    %get3A_2 = vector.load %arg4[%get3A, %get3A_0, %get3A_1] : memref<2x1000x1xf32, #tpu.memory_space<vmem>>, vector<2x1000x1xf32>
    %slice3A = vector.extract_strided_slice %get3A_2 {offsets = [0, 0, 0], sizes = [1, 1000, 1], strides = [1, 1, 1]} : vector<2x1000x1xf32> to vector<1x1000x1xf32>
    %squeeze3A = vector.shape_cast %slice3A : vector<1x1000x1xf32> to vector<1000x1xf32>
    %slice3A_3 = vector.extract_strided_slice %get3A_2 {offsets = [1, 0, 0], sizes = [1, 1000, 1], strides = [1, 1, 1]} : vector<2x1000x1xf32> to vector<1x1000x1xf32>
    %squeeze3A_4 = vector.shape_cast %slice3A_3 : vector<1x1000x1xf32> to vector<1000x1xf32>
    %add3A = arith.addf %squeeze3A, %squeeze3A_4 : vector<1000x1xf32>
    %add3A_5 = arith.constant 1.000000e+00 : f32
    %add3A_6 = vector.broadcast %add3A_5 : f32 to vector<1000x1xf32>
    %add3A_7 = arith.addf %add3A, %add3A_6 : vector<1000x1xf32>
    %rsqrt3A = math.rsqrt %add3A_7 : vector<1000x1xf32>
    %get3A_8 = arith.constant 0 : index
    %get3A_9 = arith.constant 0 : index
    %get3A_10 = arith.constant 0 : index
    %get3A_11 = vector.load %arg1[%get3A_8, %get3A_9, %get3A_10] : memref<2x1000x64xf32, #tpu.memory_space<vmem>>, vector<2x1000x64xf32>
    %get3A_12 = arith.constant 0 : index
    %get3A_13 = arith.constant 0 : index
    %get3A_14 = arith.constant 0 : index
    %get3A_15 = vector.load %arg2[%get3A_12, %get3A_13, %get3A_14] : memref<2x1000x64xf32, #tpu.memory_space<vmem>>, vector<2x1000x64xf32>
    %add3A_16 = arith.addf %get3A_11, %get3A_15 : vector<2x1000x64xf32>
    %broadcast_in_dim3A = vector.shape_cast %rsqrt3A : vector<1000x1xf32> to vector<1x1000x1xf32>
    %mul3A = vector.broadcast %broadcast_in_dim3A : vector<1x1000x1xf32> to vector<2x1000x64xf32>
    %mul3A_17 = arith.mulf %add3A_16, %mul3A : vector<2x1000x64xf32>
    %get3A_18 = arith.constant 0 : index
    %get3A_19 = arith.constant 0 : index
    %get3A_20 = arith.constant 0 : index
    %get3A_21 = vector.load %arg6[%get3A_18, %get3A_19, %get3A_20] : memref<2x1x64xf32, #tpu.memory_space<vmem>>, vector<2x1x64xf32>
    %add3A_22 = vector.broadcast %get3A_21 : vector<2x1x64xf32> to vector<2x1000x64xf32>
    %add3A_23 = arith.addf %mul3A_17, %add3A_22 : vector<2x1000x64xf32>
    %max3A = arith.constant 0.000000e+00 : f32
    %max3A_24 = vector.broadcast %max3A : f32 to vector<2x1000x64xf32>
    %max3A_25 = arith.maximumf %add3A_23, %max3A_24 : vector<2x1000x64xf32>
    %slice3A_26 = vector.extract_strided_slice %max3A_25 {offsets = [0, 0, 0], sizes = [1, 1000, 64], strides = [1, 1, 1]} : vector<2x1000x64xf32> to vector<1x1000x64xf32>
    %squeeze3A_27 = vector.shape_cast %slice3A_26 : vector<1x1000x64xf32> to vector<1000x64xf32>
    %slice3A_28 = vector.extract_strided_slice %max3A_25 {offsets = [1, 0, 0], sizes = [1, 1000, 64], strides = [1, 1, 1]} : vector<2x1000x64xf32> to vector<1x1000x64xf32>
    %squeeze3A_29 = vector.shape_cast %slice3A_28 : vector<1x1000x64xf32> to vector<1000x64xf32>
    %concatenate3A = tpu.concatenate %squeeze3A_27, %squeeze3A_29 in 1 : vector<1000x64xf32>, vector<1000x64xf32> -> vector<1000x128xf32>
    %get3A_30 = arith.constant 0 : index
    %get3A_31 = arith.constant 0 : index
    %get3A_32 = vector.load %arg5[%get3A_30, %get3A_31] : memref<128x128xf32, #tpu.memory_space<vmem>>, vector<128x128xf32>
    %dot_general3A = arith.constant dense<0.000000e+00> : vector<1000x128xf32>
    %dot_general3A_33 = tpu.matmul %concatenate3A, %get3A_32, %dot_general3A {dimension_numbers = #tpu.dot_dimension_numbers<[1], [0], [0], [1], [0, 0, 1, 1], [], []>, transpose_lhs_hint = false} : vector<1000x128xf32>, vector<128x128xf32>, vector<1000x128xf32> -> vector<1000x128xf32>
    %get3A_34 = arith.constant 0 : index
    %get3A_35 = arith.constant 0 : index
    %get3A_36 = vector.load %arg3[%get3A_34, %get3A_35] : memref<1000x128xf32, #tpu.memory_space<vmem>>, vector<1000x128xf32>
    %add3A_37 = arith.addf %dot_general3A_33, %get3A_36 : vector<1000x128xf32>
    %max3A_38 = arith.constant 0.000000e+00 : f32
    %max3A_39 = vector.broadcast %max3A_38 : f32 to vector<1000x128xf32>
    %max3A_40 = arith.maximumf %add3A_37, %max3A_39 : vector<1000x128xf32>
    %swap3A = arith.constant 0 : index
    %swap3A_41 = arith.constant 0 : index
    %swap3A_42 = vector.load %arg7[%swap3A, %swap3A_41] : memref<1000x128xf32, #tpu.memory_space<vmem>>, vector<1000x128xf32>
    tpu.vector_store %arg7[%swap3A, %swap3A_41], %max3A_40 {strides = array<i32>} : memref<1000x128xf32, #tpu.memory_space<vmem>>, vector<1000x128xf32>,
    return
  }
  func.func @transform_0(%arg0: i32) -> (i32, i32, i32) {
    %c0_i32 = arith.constant 0 : i32
    %c0_i32_0 = arith.constant 0 : i32
    %c0_i32_1 = arith.constant 0 : i32
    return %c0_i32, %arg0, %c0_i32_0 : i32, i32, i32
  }
  func.func @transform_1(%arg0: i32) -> (i32, i32, i32) {
    %c0_i32 = arith.constant 0 : i32
    %c0_i32_0 = arith.constant 0 : i32
    %c0_i32_1 = arith.constant 0 : i32
    return %c0_i32, %arg0, %c0_i32_0 : i32, i32, i32
  }
  func.func @transform_2(%arg0: i32) -> (i32, i32) {
    %c0_i32 = arith.constant 0 : i32
    %c0_i32_0 = arith.constant 0 : i32
    return %arg0, %c0_i32 : i32, i32
  }
  func.func @transform_3(%arg0: i32) -> (i32, i32, i32) {
    %c0_i32 = arith.constant 0 : i32
    %c0_i32_0 = arith.constant 0 : i32
    %c0_i32_1 = arith.constant 0 : i32
    return %c0_i32, %arg0, %c0_i32_0 : i32, i32, i32
  }
  func.func @transform_4(%arg0: i32) -> (i32, i32) {
    %c0_i32 = arith.constant 0 : i32
    %c0_i32_0 = arith.constant 0 : i32
    %c0_i32_1 = arith.constant 0 : i32
    return %c0_i32, %c0_i32_0 : i32, i32
  }
  func.func @transform_5(%arg0: i32) -> (i32, i32, i32) {
    %c0_i32 = arith.constant 0 : i32
    %c0_i32_0 = arith.constant 0 : i32
    %c0_i32_1 = arith.constant 0 : i32
    %c0_i32_2 = arith.constant 0 : i32
    return %c0_i32, %c0_i32_0, %c0_i32_1 : i32, i32, i32
  }
  func.func @transform_6(%arg0: i32) -> (i32, i32) {
    %c0_i32 = arith.constant 0 : i32
    %c0_i32_0 = arith.constant 0 : i32
    return %arg0, %c0_i32 : i32, i32
  }
}

</mosaic_0001>

<sc_bundles>
// kernel: kernel.6.cloned.1.call-start
scs
__scs_entry_jumppad:
0x0: {  	(pc) =	sbr.rel $0x88, $3  }
0x1: {  	(tag) =	ssettag $0x0;
	lr =	simm.s32 $0x1  }
0x2: {  	[smem:$0x3F9C] =	sst lr;
	_ =	strace $0xD0000000  }
0x3: {  	_ = 	snop  }
0x4: {  	_ = 	snop  }
0x5: {  	_ = 	snop  }
0x6: {  	_ = 	snop  }
0x7: {  	_ = 	snop  }
__scs_overlays_trampoline_lowered:
0x8: {  	[smem:$0x3FAB] =	sst s0  }
0x9: {  	[smem:$0x3FAC] =	sst s1  }
0xa: {  	[smem:$0x3FAD] =	sst s2  }
0xb: {  	[smem:$0x3FAE] =	sst s3  }
0xc: {  	[smem:$0x3FAF] =	sst s4  }
0xd: {  	[smem:$0x3FB0] =	sst s5  }
0xe: {  	[smem:$0x3FB1] =	sst s6  }
0xf: {  	[smem:$0x3FB2] =	sst s7  }
0x10: {  	[smem:$0x3FB3] =	sst s8  }
0x11: {  	[smem:$0x3FB4] =	sst s9;
	s0 =	simm.s32 @!p0 $0x0  }
0x12: {  	s1 =	sld [smem:$0x3F9A];
	s0 =	simm.s32 @p0 $0x1  }
0x13: {  	[smem:$0x3FB5] =	sst s0;
	s0 =	simm.s32 @!p1 $0x0  }
0x14: {  	s2 =	sld [smem:$0x3F99];
	s0 =	simm.s32 @p1 $0x1  }
0x15: {  	[smem:$0x3FB6] =	sst s0;
	s0 =	simm.s32 @!p2 $0x0  }
0x16: {  	s3 =	sld [smem:$0x3FDB];
	s0 =	simm.s32 @p2 $0x1  }
0x17: {  	s4 =	simm.s32 $0x1BF5;
	[smem:$0x3FB8] =	sst s0  }
0x18: {  	s0 =	sld [smem:$0x3F9B];
	_ =	swait.ge [sflag:s4], $0x0  }
0x19: {  	s7 =	sld [smem:$0x3F9C]  }
0x1a: {  	s8 =	sadd.s32 $0xFFFFE003, lr  }
0x1b: {  	s9 =	sadd.s32 $0xFFFFFEF7, lr;
	s5 =	simm.s32 $0xFFFFFFFF;
	p2 =	slt.u32 s8, $0xFFFFF086  }
0x1c: {  	p1 =	slt.u32 s9, $0xF7A;
	s5 =	simm.s32 @!p2 $0x0  }
0x1d: {  	s5 =	simm.s32 @p1 $0x1;
	p0 =	seq.s32 s7, s2  }
0x1e: {  	s7 =	smul.u32 @!p0 $0xF7A, s2;
	p2 =	seq.s32 @!p0 s5, $0x0  }
0x1f: {  	s9 =	smul.u32 $0xF7A, s1;
	s8 =	simm.s32 @!p0 $0x1BF5;
	p2 =	por !p2, p0  }
0x20: {  	[sflag:s8] =	ssyncset.s32 @!p0 $0xFFFFF086;
	s6 =	sadd.s32 @!p0 s3, s7;
	s7 =	simm.s32 @!p0 $0x108  }
0x21: {  	s3 =	sadd.s32 s3, s9;
	s6 =	sadd.s32 @!p0 $0x88, s6;
	s7 =	simm.s32 @p2 $0x1082  }
0x22: {  	[simem:s7], [sflag:s8] =	dma.local @!p0 [hbm:s6], $0xF7A  }
0x23: {  	s9 =	sor.u32 $0xD0000000, s2;
	s6 =	simm.s32 $0x108;
	_ =	swait.ge @!p0 [sflag:s8], $0x0  }
0x24: {  	s3 =	sadd.s32 $0x88, s3;
	s6 =	simm.s32 @!p1 $0x1082;
	[sflag:s4] =	ssyncset.s32 $0xFFFFF086  }
0x25: {  	[simem:s6], [sflag:s4] =	dma.local [hbm:s3], $0xF7A  }
0x26: {  	[smem:$0x3F9C] =	sst s1;
	(tag) =	ssettag s2;
	_ =	strace s9  }
0x27: {  	s1 =	sld [smem:$0x3FAC]  }
0x28: {  	s2 =	sld [smem:$0x3FAD]  }
0x29: {  	s4 =	sld [smem:$0x3FAF]  }
0x2a: {  	p0 =	seq.s32 s5, $0x0;
	s5 =	sld [smem:$0x3FB0]  }
0x2b: {  	s6 =	sld [smem:$0x3FB1]  }
0x2c: {  	s7 =	sld [smem:$0x3FB2]  }
0x2d: {  	s3 =	simm.s32 $0x108;
	s8 =	sld [smem:$0x3FB3]  }
0x2e: {  	s3 =	simm.s32 @!p0 $0x1082;
	s9 =	sld [smem:$0x3FB4]  }
0x2f: {  	lr =	sadd.s32 s0, s3;
	s0 =	sld [smem:$0x3FAB]  }
0x30: {  	s3 =	sld [smem:$0x3FAE]  }
0x31: {  	[smem:$0x3FB7] =	sst s10  }
0x32: {  	s10 =	sld [smem:$0x3FB5];
	_ =	sdelay $0x3  }
0x33: {  	p0 =	seq.s32 s10, $0x1;
	s10 =	sld [smem:$0x3FB7];
	_ =	sdelay $0x3  }
0x34: {  	[smem:$0x3FB7] =	sst s10  }
0x35: {  	s10 =	sld [smem:$0x3FB6];
	_ =	sdelay $0x3  }
0x36: {  	p1 =	seq.s32 s10, $0x1;
	s10 =	sld [smem:$0x3FB7];
	_ =	sdelay $0x3  }
0x37: {  	[smem:$0x3FB7] =	sst s10  }
0x38: {  	s10 =	sld [smem:$0x3FB8]  }
0x39: {  	_ = 	snop;
	(pc) =	sbr.ind lr, $3  }
0x3a: {  	_ = 	snop  }
0x3b: {  	_ = 	snop  }
0x3c: {  	p2 =	seq.s32 s10, $0x1;
	s10 =	sld [smem:$0x3FB7]  }
0x3d: {  	_ =	shalt  }
0x3e: {  	_ =	shalt  }
0x3f: {  	_ =	shalt  }
0x40: {  	_ =	shalt  }
0x41: {  	_ =	shalt  }
0x42: {  	_ =	shalt  }
0x43: {  	_ =	shalt  }
0x44: {  	_ =	shalt  }
0x45: {  	_ =	shalt  }
0x46: {  	_ =	shalt  }
0x47: {  	_ =	shalt  }
0x48: {  	_ =	shalt  }
0x49: {  	_ =	shalt  }
0x4a: {  	_ =	shalt  }
0x4b: {  	_ =	shalt  }
0x4c: {  	_ =	shalt  }
0x4d: {  	_ =	shalt  }
0x4e: {  	_ =	shalt  }
0x4f: {  	_ =	shalt  }
0x50: {  	_ =	shalt  }
0x51: {  	_ =	shalt  }
0x52: {  	_ =	shalt  }
0x53: {  	_ =	shalt  }
0x54: {  	_ =	shalt  }
0x55: {  	_ =	shalt  }
0x56: {  	_ =	shalt  }
0x57: {  	_ =	shalt  }
0x58: {  	_ =	shalt  }
0x59: {  	_ =	shalt  }
0x5a: {  	_ =	shalt  }
0x5b: {  	_ =	shalt  }
0x5c: {  	_ =	shalt  }
0x5d: {  	_ =	shalt  }
0x5e: {  	_ =	shalt  }
0x5f: {  	_ =	shalt  }
0x60: {  	_ =	shalt  }
0x61: {  	_ =	shalt  }
0x62: {  	_ =	shalt  }
0x63: {  	_ =	shalt  }
0x64: {  	_ =	shalt  }
0x65: {  	_ =	shalt  }
0x66: {  	_ =	shalt  }
0x67: {  	_ =	shalt  }
0x68: {  	_ =	shalt  }
0x69: {  	_ =	shalt  }
0x6a: {  	_ =	shalt  }
0x6b: {  	_ =	shalt  }
0x6c: {  	_ =	shalt  }
0x6d: {  	_ =	shalt  }
0x6e: {  	_ =	shalt  }
0x6f: {  	_ =	shalt  }
0x70: {  	_ =	shalt  }
0x71: {  	_ =	shalt  }
0x72: {  	_ =	shalt  }
0x73: {  	_ =	shalt  }
0x74: {  	_ =	shalt  }
0x75: {  	_ =	shalt  }
0x76: {  	_ =	shalt  }
0x77: {  	_ =	shalt  }
0x78: {  	_ =	shalt  }
0x79: {  	_ =	shalt  }
0x7a: {  	_ =	shalt  }
0x7b: {  	_ =	shalt  }
0x7c: {  	_ =	shalt  }
0x7d: {  	_ =	shalt  }
0x7e: {  	_ =	shalt  }
0x7f: {  	_ =	shalt  }
0x80: {  	_ =	shalt  }
0x81: {  	_ =	shalt  }
0x82: {  	_ =	shalt  }
0x83: {  	_ =	shalt  }
0x84: {  	_ =	shalt  }
0x85: {  	_ =	shalt  }
0x86: {  	_ =	shalt  }
0x87: {  	_ =	shalt  }
.Lfunc_end0:
.L_simem_size_0:
called_computation_lowered:
.L_overlay_start_0:
0x88: {  	s2 =	sld [smem:$0x3FD9]  }
0x89: {  	s3 =	sld [smem:$0x3FFE];
	_ =	sdelay $0x1  }
0x8a: {  	s1 =	srdreg.scid  }
0x8b: {  	s0 =	sand.u32 $0x1, s1  }
0x8c: {  	s17 =	sshll.u32 s0, $0xA;
	s2 =	sadd.s32 s3, s2  }
0x8d: {  	s2 =	sadd.s32 s2, s17  }
0x8e: {  	[smem:$0x3FC3] =	sst s2  }
0x8f: {  	_ = 	snop  }
0x90: {  	s2 =	sld [smem:$0x3FD0];
	(tm) =	ssettm $0x1  }
0x91: {  	s18 =	sld [smem:$0x3FFB];
	_ =	sdelay $0x3  }
0x92: {  	_ =	strace s18  }
0x93: {  	s3 =	sld [smem:$0x3FFC];
	_ =	sdelay $0x3  }
0x94: {  	_ =	strace s3  }
0x95: {  	s3 =	sld [smem:$0x3FFD];
	_ =	sdelay $0x3  }
0x96: {  	_ =	strace s3  }
0x97: {  	_ =	strace $0x8FFFFFFF  }
0x98: {  	s19 =	sld [smem:$0x3FDB];
	_ =	sdelay $0x1  }
0x99: {  	s4 =	simm.s32 $_scs_section_size  }
0x9a: {  	s5 =	simm.s32 $_size__tile_overlayer_lowered;
	s6 =	simm.s32 $_tile_overlayer_lowered  }
0x9b: {  	s22 =	simm.s32 $0x1BFF;
	s21 =	sshll.u32 s6, $0x1;
	s3 =	sadd.s32 s4, s19  }
0x9c: {  	s7 =	simm.s32 $0x0;
	s20 =	sshll.u32 s5, $0x1;
	s5 =	sadd.s32 s21, s3  }
0x9d: {  	[timem:s7], [sflag:s22] =	dma.local [hbm:s5], s20  }
0x9e: {  	_ =	swait.ge [sflag:s22], s20  }
0x9f: {  	s4 =	ssub.s32 $0x0, s20;
	[sflag:s22] =	ssyncset.done $0x0  }
0xa0: {  	[sflag:s22] =	ssyncadd.s32 s4;
	_ =	sdelay $0x1  }
0xa1: {  	s23 =	simm.s32 $0x1B8B  }
0xa2: {  	_ =	swait.ge [sflag:s23], $0x1  }
0xa3: {  	[sflag:s23] =	ssyncset.done $0x0  }
0xa4: {  	s25 =	simm.s32 $0x1B8E;
	s24 =	sld [smem:$0x3FFE];
	[sflag:s23] =	ssyncadd.s32 $0xFFFFFFFF  }
0xa5: {  	s26 =	simm.s32 $execute0_lowered;
	[smem:$0x3FD2] =	sst s25  }
0xa6: {  	s5 =	sshll.u32 s26, $0x1;
	_ =	strace $0x80000046;
	[dreg:$0x1] =	wrdreg $0xFFFFFFFF  }
0xa7: {  	s28 =	simm.s32 $_size_execute0_lowered;
	s3 =	sadd.s32 s3, s5;
	[dreg:$0x0] =	wrdreg $0x0  }
0xa8: {  	s5 =	sshll.u32 s28, $0x1;
	[dreg:$0x2] =	wrdreg s3  }
0xa9: {  	[dreg:$0x3] =	wrdreg s5  }
0xaa: {  	[dreg:$0x4] =	wrdreg $0xC0  }
0xab: {  	_ =	task [dreg:s7], $0x5FFFF  }
0xac: {  	[dreg:$0x1] =	wrdreg $0xFFFFFFFF  }
0xad: {  	[dreg:$0x0] =	wrdreg $0x60  }
0xae: {  	[dreg:$0x2] =	wrdreg s24  }
0xaf: {  	[dreg:$0x3] =	wrdreg s2  }
0xb0: {  	[dreg:$0x4] =	wrdreg $0x4E700  }
0xb1: {  	[dreg:$0x5] =	wrdreg $0x9  }
0xb2: {  	_ =	task.clear_ibuf [dreg:s7], $0x6FFFF;
	_ =	strace $0x90000046  }
0xb3: {  	s29 =	simm.s32 $0x9;
	_ =	strace $0x80000048  }
0xb4: {  	_ =	swait.ge [sflag:s29], $0x1  }
0xb5: {  	[sflag:s29] =	ssyncadd.s32 $0xFFFFFFFF  }
0xb6: {  	_ =	strace $0x90000048  }
0xb7: {  	_ =	sfence  }
0xb8: {  	s30 =	sld [smem:$0x0];
	_ =	sdelay $0x2  }
0xb9: {  	s31 =	sshll.u32 s1, $0xD;
	s1 =	sshrl.u32 s1, $0x2  }
0xba: {  	s3 =	sand.u32 $0x4000, s31;
	s1 =	sadd.s32 s1, s30  }
0xbb: {  	s0 =	sor.u32 s3, s0;
	s1 =	sshll.u32 s1, $0x11  }
0xbc: {  	s0 =	sor.u32 s1, s0  }
0xbd: {  	s0 =	sadd.s32 $0x8F2B, s0  }
0xbe: {  	[sflag:s0] =	ssyncadd.remote.s32 $0x1  }
0xbf: {  	_ =	sfence.sel $0xFFFF  }
0xc0: {  	[dreg:$0x0] =	wrdreg $0xFFFFFFFF;
	(pc) =	sbr.abs _section_cstart, $3  }
0xc1: {  	[dreg:$0x1] =	wrdreg $0xFFFFFFFF  }
0xc2: {  	_ =	task.clear_ibuf [dreg:s7], $0x2FFFF;
	_ =	strace $0x9FFFFFFF  }
0xc3: {  	(tm) =	ssettm $0x7FFFFFFF  }
tec
execute0_lowered:
.L_overlay_start_1:
0x0: {  	(tag) =	ssettag $0x1  }
0x1: {  	s3 =	rddreg [dreg:$0x0]  }
0x2: {  	s0 =	srdreg.scid;
	s4 =	rddreg [dreg:$0x1]  }
0x3: {  	s6 =	stileid.u32;
	s1 =	rddreg [dreg:$0x2]  }
0x4: {  	s2 =	simm.s32 $0x0;
	s5 =	sand.u32 $0x1, s0;
	s0 =	rddreg [dreg:$0x3]  }
0x5: {  	s9 =	simm.s32 $0x0;
	s30 =	sshll.u32 s6, $0x1;
	[smem:$0x7FF] =	sst s2  }
0x6: {  	s7 =	sor.u32 s5, s30;
	s8 =	ssub.s32 $0x2, s5;
	s5 =	smul.u32 $0x4E2, s5  }
0x7: {  	p0 =	sne.s32 s6, $0x0;
	s6 =	simm.s32 $0x2760;
	s7 =	smul.u32 $0x4E2, s7  }
0x8: {  	_ =	strace $0x80000047;
	s31 =	sshrl.u32 s8, $0x1;
	s4 =	sadd.s32 s4, s5  }
0x9: {  	s3 =	sadd.s32 s7, s3;
	s7 =	ssub.s32 s8, s31;
	s8 =	simm.s32 $0x1  }
0xa: {  	v0 =	vimm.f32 $1.000000000e+00;
	v1 =	vimm.f32 $0.0e+00;
	s3 =	sadd.s32 $0xAC00, s3;
	s5 =	smax.u32 s7, $0x1;
	s7 =	simm.s32 $0x2  }
.LBB2_1:
0xb: {  	[tilespmem:s2], [sflag:$0x1] =	stream.linear.gather [hbm4b:s3+s2], $0x2710, $0x38;
	[tilespmem:$0x50E8] =	vst v63  }
.Ltmp0:
0xc: {  	[tilespmem:$0x2710] =	vst v0;
	(pc) =	sbr.rel @p0 .LBB2_5-.Ltmp0, $4  }
0xd: {  	[tilespmem:$0x2720] =	vst v0  }
0xe: {  	[tilespmem:$0x2730] =	vst v0  }
0xf: {  	[tilespmem:$0x2740] =	vst v0  }
0x10: {  	[tilespmem:$0x2750] =	vst v0  }
0x11: {  	s10 =	simm.s32 $0x40;
	s11 =	simm.s32 $0x0  }
.LBB2_3:
0x12: {  	p1 =	sne.s32 s10, $0x9C00;
	[tilespmem:s11+$0x2760] =	vst v1;
	s11 =	smov.u32 s10;
	s10 =	sadd.s32 $0x40, s10  }
.Ltmp1:
0x13: {  	(pc) =	sbr.rel @p1 .LBB2_3-.Ltmp1, $2  }
0x14: {  	_ =	sdelay $0x2  }
0x15: {  	s11 =	sshra.s32 s11, $0x2  }
0x16: {  	[tilespmem:s11+$0x2760] =	vst v1  }
0x17: {  	[spmem:s1] =	stream.linear.scatter [tilespmem:s6], [sflag:$0x2], $0x2710, $0x38;
	[tilespmem:$0x50E8] =	vst v63  }
0x18: {  	_ =	swait.ge [sflag:s7], $0x2710  }
0x19: {  	[sflag:s7] =	ssyncset.done $0x0  }
0x1a: {  	[sflag:s7] =	ssyncadd.s32 $0xFFFFD8F0  }
.LBB2_5:
0x1b: {  	[bflag:$0x0] =	sbarrier.arrive $0xFFFF  }
0x1c: {  	_ =	swait.ge [sflag:s8], $0x2710  }
0x1d: {  	[sflag:s8] =	ssyncset.done $0x0  }
0x1e: {  	s10 =	simm.s32 $0x0;
	s11 =	simm.s32 $0x0;
	[sflag:s8] =	ssyncadd.s32 $0xFFFFD8F0  }
.LBB2_6:
0x1f: {  	p1 =	sgt.u32 s11, $0x7C  }
0x20: {  	s12 =	simm.s32 @!p1 $0x50;
	s13 =	simm.s32 @!p1 $0x2710;
	p2 =	slt.u32 @!p1 s11, $0x8  }
0x21: {  	[spmem:s1] =	stream.indirect.scatter.add.f32 @!p1 [tilespmem:s13], [sflag:$0x1], $0x1, s10, s12, $0xb8;
	[tilespmem:$0x50E8] =	vst v63  }
0x22: {  	p1 =	por p1, !p2  }
0x23: {  	_ =	swait.ge @p1 [sflag:s8], $0x50  }
0x24: {  	s11 =	sadd.s32 $0x1, s11;
	[sflag:s8] =	ssyncset.done @p1 $0x0  }
0x25: {  	[sflag:s8] =	ssyncadd.s32 @p1 $0xFFFFFFB0;
	p1 =	sne.s32 s11, $0x85  }
.Ltmp2:
0x26: {  	_ = 	snop;
	(pc) =	sbr.rel @p1 .LBB2_6-.Ltmp2, $2  }
0x27: {  	_ =	sdelay $0x2  }
0x28: {  	s10 =	sadd.s32 $0x50, s10  }
0x29: {  	[bflag:$0x0] =	sbarrier.arrive $0xFFFF;
	s10 =	simm.s32 @!p0 $0x2760;
	s11 =	simm.s32 @!p0 $0x2  }
0x2a: {  	[tilespmem:s10], [sflag:$0x2] =	stream.linear.gather @!p0 [spmem:s1], $0x2710, $0x38;
	[tilespmem:$0x50E8] =	vst v63  }
0x2b: {  	s9 =	sadd.s32 $0x1, s9;
	_ =	swait.ge @!p0 [sflag:s11], $0x2710  }
0x2c: {  	p1 =	sne.s32 s9, s5;
	[sflag:s11] =	ssyncset.done @!p0 $0x0  }
.Ltmp3:
0x2d: {  	s12 =	simm.s32 @!p0 $0x0;
	[sflag:s11] =	ssyncadd.s32 @!p0 $0xFFFFD8F0;
	(pc) =	sbr.rel @p1 .LBB2_1-.Ltmp3, $4  }
0x2e: {  	[hbm4b:s4+s12] =	stream.linear.scatter @!p0 [tilespmem:s10], [sflag:$0x2], $0x2710, $0x38;
	[tilespmem:$0x50E8] =	vst v63  }
0x2f: {  	_ =	swait.ge @!p0 [sflag:s11], $0x2710  }
0x30: {  	[sflag:s11] =	ssyncset.done @!p0 $0x0  }
0x31: {  	[sflag:s11] =	ssyncadd.s32 @!p0 $0xFFFFD8F0  }
0x32: {  	_ =	sfence.sel $0x180000  }
0x33: {  	[bflag:$0x0] =	sbarrier.arrive $0xFFFF  }
0x34: {  	_ =	strace $0x90000047  }
0x35: {  	s0 =	sadd.s32 @!p0 $0x100000, s0;
	[bflag:$0x2] =	sbarrier.arrive $0xFFFF  }
0x36: {  	[sflag:s0] =	ssyncadd.tile.s32 @!p0 $0x1;
	_ =	shalt  }
.Lfunc_end2:
_tile_overlayer_lowered:
.L_overlay_start_2:
0x37: {  	(tag) =	ssettag $0x2  }
0x38: {  	s0 =	rddreg [dreg:$0x0];
	s2 =	stileid.u32  }
0x39: {  	s1 =	rddreg [dreg:$0x1];
	p0 =	sne.s32 s2, $0x0  }
0x3a: {  	s3 =	rddreg [dreg:$0x2];
	[bflag:$0x3] =	sbarrier.arrive $0xFFFF;
	s2 =	simm.s32 @!p0 $0x1C02  }
0x3b: {  	[timem:s3], [sflag:s2] =	dma.local @!p0 [hbm:s0], s1  }
0x3c: {  	s0 =	simm.s32 @!p0 $0x2  }
0x3d: {  	_ =	swait.ge @!p0 [sflag:s0], s1  }
0x3e: {  	s1 =	ssub.s32 @!p0 $0x0, s1;
	[sflag:s0] =	ssyncset.done @!p0 $0x0  }
0x3f: {  	[sflag:s0] =	ssyncadd.s32 @!p0 s1  }
0x40: {  	[bflag:$0x3] =	sbarrier.arrive $0xFFFF  }
0x41: {  	_ =	shalt  }

// kernel: kernel.9.cloned.1.call-start
scs
__scs_entry_jumppad:
0x0: {  	(pc) =	sbr.rel $0x88, $3  }
0x1: {  	(tag) =	ssettag $0x0;
	lr =	simm.s32 $0x1  }
0x2: {  	[smem:$0x3F9C] =	sst lr;
	_ =	strace $0xD0000000  }
0x3: {  	_ = 	snop  }
0x4: {  	_ = 	snop  }
0x5: {  	_ = 	snop  }
0x6: {  	_ = 	snop  }
0x7: {  	_ = 	snop  }
__scs_overlays_trampoline_lowered:
0x8: {  	[smem:$0x3FAB] =	sst s0  }
0x9: {  	[smem:$0x3FAC] =	sst s1  }
0xa: {  	[smem:$0x3FAD] =	sst s2  }
0xb: {  	[smem:$0x3FAE] =	sst s3  }
0xc: {  	[smem:$0x3FAF] =	sst s4  }
0xd: {  	[smem:$0x3FB0] =	sst s5  }
0xe: {  	[smem:$0x3FB1] =	sst s6  }
0xf: {  	[smem:$0x3FB2] =	sst s7  }
0x10: {  	[smem:$0x3FB3] =	sst s8  }
0x11: {  	[smem:$0x3FB4] =	sst s9;
	s0 =	simm.s32 @!p0 $0x0  }
0x12: {  	s1 =	sld [smem:$0x3F9A];
	s0 =	simm.s32 @p0 $0x1  }
0x13: {  	[smem:$0x3FB5] =	sst s0;
	s0 =	simm.s32 @!p1 $0x0  }
0x14: {  	s2 =	sld [smem:$0x3F99];
	s0 =	simm.s32 @p1 $0x1  }
0x15: {  	[smem:$0x3FB6] =	sst s0;
	s0 =	simm.s32 @!p2 $0x0  }
0x16: {  	s3 =	sld [smem:$0x3FDB];
	s0 =	simm.s32 @p2 $0x1  }
0x17: {  	s4 =	simm.s32 $0x1BF5;
	[smem:$0x3FB8] =	sst s0  }
0x18: {  	s0 =	sld [smem:$0x3F9B];
	_ =	swait.ge [sflag:s4], $0x0  }
0x19: {  	s7 =	sld [smem:$0x3F9C]  }
0x1a: {  	s8 =	sadd.s32 $0xFFFFE003, lr  }
0x1b: {  	s9 =	sadd.s32 $0xFFFFFEF7, lr;
	s5 =	simm.s32 $0xFFFFFFFF;
	p2 =	slt.u32 s8, $0xFFFFF086  }
0x1c: {  	p1 =	slt.u32 s9, $0xF7A;
	s5 =	simm.s32 @!p2 $0x0  }
0x1d: {  	s5 =	simm.s32 @p1 $0x1;
	p0 =	seq.s32 s7, s2  }
0x1e: {  	s7 =	smul.u32 @!p0 $0xF7A, s2;
	p2 =	seq.s32 @!p0 s5, $0x0  }
0x1f: {  	s9 =	smul.u32 $0xF7A, s1;
	s8 =	simm.s32 @!p0 $0x1BF5;
	p2 =	por !p2, p0  }
0x20: {  	[sflag:s8] =	ssyncset.s32 @!p0 $0xFFFFF086;
	s6 =	sadd.s32 @!p0 s3, s7;
	s7 =	simm.s32 @!p0 $0x108  }
0x21: {  	s3 =	sadd.s32 s3, s9;
	s6 =	sadd.s32 @!p0 $0x88, s6;
	s7 =	simm.s32 @p2 $0x1082  }
0x22: {  	[simem:s7], [sflag:s8] =	dma.local @!p0 [hbm:s6], $0xF7A  }
0x23: {  	s9 =	sor.u32 $0xD0000000, s2;
	s6 =	simm.s32 $0x108;
	_ =	swait.ge @!p0 [sflag:s8], $0x0  }
0x24: {  	s3 =	sadd.s32 $0x88, s3;
	s6 =	simm.s32 @!p1 $0x1082;
	[sflag:s4] =	ssyncset.s32 $0xFFFFF086  }
0x25: {  	[simem:s6], [sflag:s4] =	dma.local [hbm:s3], $0xF7A  }
0x26: {  	[smem:$0x3F9C] =	sst s1;
	(tag) =	ssettag s2;
	_ =	strace s9  }
0x27: {  	s1 =	sld [smem:$0x3FAC]  }
0x28: {  	s2 =	sld [smem:$0x3FAD]  }
0x29: {  	s4 =	sld [smem:$0x3FAF]  }
0x2a: {  	p0 =	seq.s32 s5, $0x0;
	s5 =	sld [smem:$0x3FB0]  }
0x2b: {  	s6 =	sld [smem:$0x3FB1]  }
0x2c: {  	s7 =	sld [smem:$0x3FB2]  }
0x2d: {  	s3 =	simm.s32 $0x108;
	s8 =	sld [smem:$0x3FB3]  }
0x2e: {  	s3 =	simm.s32 @!p0 $0x1082;
	s9 =	sld [smem:$0x3FB4]  }
0x2f: {  	lr =	sadd.s32 s0, s3;
	s0 =	sld [smem:$0x3FAB]  }
0x30: {  	s3 =	sld [smem:$0x3FAE]  }
0x31: {  	[smem:$0x3FB7] =	sst s10  }
0x32: {  	s10 =	sld [smem:$0x3FB5];
	_ =	sdelay $0x3  }
0x33: {  	p0 =	seq.s32 s10, $0x1;
	s10 =	sld [smem:$0x3FB7];
	_ =	sdelay $0x3  }
0x34: {  	[smem:$0x3FB7] =	sst s10  }
0x35: {  	s10 =	sld [smem:$0x3FB6];
	_ =	sdelay $0x3  }
0x36: {  	p1 =	seq.s32 s10, $0x1;
	s10 =	sld [smem:$0x3FB7];
	_ =	sdelay $0x3  }
0x37: {  	[smem:$0x3FB7] =	sst s10  }
0x38: {  	s10 =	sld [smem:$0x3FB8]  }
0x39: {  	_ = 	snop;
	(pc) =	sbr.ind lr, $3  }
0x3a: {  	_ = 	snop  }
0x3b: {  	_ = 	snop  }
0x3c: {  	p2 =	seq.s32 s10, $0x1;
	s10 =	sld [smem:$0x3FB7]  }
0x3d: {  	_ =	shalt  }
0x3e: {  	_ =	shalt  }
0x3f: {  	_ =	shalt  }
0x40: {  	_ =	shalt  }
0x41: {  	_ =	shalt  }
0x42: {  	_ =	shalt  }
0x43: {  	_ =	shalt  }
0x44: {  	_ =	shalt  }
0x45: {  	_ =	shalt  }
0x46: {  	_ =	shalt  }
0x47: {  	_ =	shalt  }
0x48: {  	_ =	shalt  }
0x49: {  	_ =	shalt  }
0x4a: {  	_ =	shalt  }
0x4b: {  	_ =	shalt  }
0x4c: {  	_ =	shalt  }
0x4d: {  	_ =	shalt  }
0x4e: {  	_ =	shalt  }
0x4f: {  	_ =	shalt  }
0x50: {  	_ =	shalt  }
0x51: {  	_ =	shalt  }
0x52: {  	_ =	shalt  }
0x53: {  	_ =	shalt  }
0x54: {  	_ =	shalt  }
0x55: {  	_ =	shalt  }
0x56: {  	_ =	shalt  }
0x57: {  	_ =	shalt  }
0x58: {  	_ =	shalt  }
0x59: {  	_ =	shalt  }
0x5a: {  	_ =	shalt  }
0x5b: {  	_ =	shalt  }
0x5c: {  	_ =	shalt  }
0x5d: {  	_ =	shalt  }
0x5e: {  	_ =	shalt  }
0x5f: {  	_ =	shalt  }
0x60: {  	_ =	shalt  }
0x61: {  	_ =	shalt  }
0x62: {  	_ =	shalt  }
0x63: {  	_ =	shalt  }
0x64: {  	_ =	shalt  }
0x65: {  	_ =	shalt  }
0x66: {  	_ =	shalt  }
0x67: {  	_ =	shalt  }
0x68: {  	_ =	shalt  }
0x69: {  	_ =	shalt  }
0x6a: {  	_ =	shalt  }
0x6b: {  	_ =	shalt  }
0x6c: {  	_ =	shalt  }
0x6d: {  	_ =	shalt  }
0x6e: {  	_ =	shalt  }
0x6f: {  	_ =	shalt  }
0x70: {  	_ =	shalt  }
0x71: {  	_ =	shalt  }
0x72: {  	_ =	shalt  }
0x73: {  	_ =	shalt  }
0x74: {  	_ =	shalt  }
0x75: {  	_ =	shalt  }
0x76: {  	_ =	shalt  }
0x77: {  	_ =	shalt  }
0x78: {  	_ =	shalt  }
0x79: {  	_ =	shalt  }
0x7a: {  	_ =	shalt  }
0x7b: {  	_ =	shalt  }
0x7c: {  	_ =	shalt  }
0x7d: {  	_ =	shalt  }
0x7e: {  	_ =	shalt  }
0x7f: {  	_ =	shalt  }
0x80: {  	_ =	shalt  }
0x81: {  	_ =	shalt  }
0x82: {  	_ =	shalt  }
0x83: {  	_ =	shalt  }
0x84: {  	_ =	shalt  }
0x85: {  	_ =	shalt  }
0x86: {  	_ =	shalt  }
0x87: {  	_ =	shalt  }
.Lfunc_end0:
.L_simem_size_0:
called_computation.1_lowered:
.L_overlay_start_0:
0x88: {  	s2 =	sld [smem:$0x3FD9]  }
0x89: {  	s3 =	sld [smem:$0x3FFE];
	_ =	sdelay $0x1  }
0x8a: {  	s1 =	srdreg.scid  }
0x8b: {  	s0 =	sand.u32 $0x1, s1  }
0x8c: {  	s17 =	sshll.u32 s0, $0xA;
	s2 =	sadd.s32 s3, s2  }
0x8d: {  	s2 =	sadd.s32 s2, s17  }
0x8e: {  	[smem:$0x3FC3] =	sst s2  }
0x8f: {  	_ = 	snop  }
0x90: {  	s2 =	sld [smem:$0x3FD0];
	(tm) =	ssettm $0x1  }
0x91: {  	s18 =	sld [smem:$0x3FFB];
	_ =	sdelay $0x3  }
0x92: {  	_ =	strace s18  }
0x93: {  	s3 =	sld [smem:$0x3FFC];
	_ =	sdelay $0x3  }
0x94: {  	_ =	strace s3  }
0x95: {  	s3 =	sld [smem:$0x3FFD];
	_ =	sdelay $0x3  }
0x96: {  	_ =	strace s3  }
0x97: {  	_ =	strace $0x8FFFFFFF  }
0x98: {  	s19 =	sld [smem:$0x3FDB];
	_ =	sdelay $0x1  }
0x99: {  	s4 =	simm.s32 $_scs_section_size  }
0x9a: {  	s5 =	simm.s32 $_size__tile_overlayer_lowered;
	s6 =	simm.s32 $_tile_overlayer_lowered  }
0x9b: {  	s22 =	simm.s32 $0x1BFF;
	s21 =	sshll.u32 s6, $0x1;
	s3 =	sadd.s32 s4, s19  }
0x9c: {  	s7 =	simm.s32 $0x0;
	s20 =	sshll.u32 s5, $0x1;
	s5 =	sadd.s32 s21, s3  }
0x9d: {  	[timem:s7], [sflag:s22] =	dma.local [hbm:s5], s20  }
0x9e: {  	_ =	swait.ge [sflag:s22], s20  }
0x9f: {  	s4 =	ssub.s32 $0x0, s20;
	[sflag:s22] =	ssyncset.done $0x0  }
0xa0: {  	[sflag:s22] =	ssyncadd.s32 s4;
	_ =	sdelay $0x1  }
0xa1: {  	s23 =	simm.s32 $0x1B8B  }
0xa2: {  	_ =	swait.ge [sflag:s23], $0x1  }
0xa3: {  	[sflag:s23] =	ssyncset.done $0x0  }
0xa4: {  	s25 =	simm.s32 $0x1B8E;
	s24 =	sld [smem:$0x3FFE];
	[sflag:s23] =	ssyncadd.s32 $0xFFFFFFFF  }
0xa5: {  	s26 =	simm.s32 $execute0_lowered;
	[smem:$0x3FD2] =	sst s25  }
0xa6: {  	s5 =	sshll.u32 s26, $0x1;
	_ =	strace $0x80000049;
	[dreg:$0x1] =	wrdreg $0xFFFFFFFF  }
0xa7: {  	s28 =	simm.s32 $_size_execute0_lowered;
	s3 =	sadd.s32 s3, s5;
	[dreg:$0x0] =	wrdreg $0x0  }
0xa8: {  	s5 =	sshll.u32 s28, $0x1;
	[dreg:$0x2] =	wrdreg s3  }
0xa9: {  	[dreg:$0x3] =	wrdreg s5  }
0xaa: {  	[dreg:$0x4] =	wrdreg $0xC0  }
0xab: {  	_ =	task [dreg:s7], $0x5FFFF  }
0xac: {  	[dreg:$0x1] =	wrdreg $0xFFFFFFFF  }
0xad: {  	[dreg:$0x0] =	wrdreg $0x60  }
0xae: {  	[dreg:$0x2] =	wrdreg s2  }
0xaf: {  	[dreg:$0x3] =	wrdreg s24  }
0xb0: {  	[dreg:$0x4] =	wrdreg $0x10C400  }
0xb1: {  	[dreg:$0x5] =	wrdreg $0x9  }
0xb2: {  	_ =	task.clear_ibuf [dreg:s7], $0x6FFFF;
	_ =	strace $0x90000049  }
0xb3: {  	s29 =	simm.s32 $0x9;
	_ =	strace $0x8000004B  }
0xb4: {  	_ =	swait.ge [sflag:s29], $0x1  }
0xb5: {  	[sflag:s29] =	ssyncadd.s32 $0xFFFFFFFF  }
0xb6: {  	_ =	strace $0x9000004B  }
0xb7: {  	_ =	sfence  }
0xb8: {  	s30 =	sld [smem:$0x0];
	_ =	sdelay $0x2  }
0xb9: {  	s31 =	sshll.u32 s1, $0xD;
	s1 =	sshrl.u32 s1, $0x2  }
0xba: {  	s3 =	sand.u32 $0x4000, s31;
	s1 =	sadd.s32 s1, s30  }
0xbb: {  	s0 =	sor.u32 s3, s0;
	s1 =	sshll.u32 s1, $0x11  }
0xbc: {  	s0 =	sor.u32 s1, s0  }
0xbd: {  	s0 =	sadd.s32 $0x8F2B, s0  }
0xbe: {  	[sflag:s0] =	ssyncadd.remote.s32 $0x1  }
0xbf: {  	_ =	sfence.sel $0xFFFF  }
0xc0: {  	[dreg:$0x0] =	wrdreg $0xFFFFFFFF;
	(pc) =	sbr.abs _section_cstart, $3  }
0xc1: {  	[dreg:$0x1] =	wrdreg $0xFFFFFFFF  }
0xc2: {  	_ =	task.clear_ibuf [dreg:s7], $0x2FFFF;
	_ =	strace $0x9FFFFFFF  }
0xc3: {  	(tm) =	ssettm $0x7FFFFFFF  }
tec
execute0_lowered:
.L_overlay_start_1:
0x0: {  	(tag) =	ssettag $0x1  }
0x1: {  	s0 =	rddreg [dreg:$0x0]  }
0x2: {  	s1 =	rddreg [dreg:$0x1]  }
0x3: {  	s2 =	rddreg [dreg:$0x2]  }
0x4: {  	s3 =	stileid.u32;
	s4 =	srdreg.scid  }
0x5: {  	s5 =	simm.s32 $0x0;
	s14 =	simm.s32 $0x4E20;
	s15 =	simm.s32 $0xEC40  }
0x6: {  	s16 =	simm.s32 $0x9;
	s17 =	simm.s32 $0x1;
	s18 =	simm.s32 $0x2  }
0x7: {  	s19 =	simm.s32 $0x50;
	s20 =	simm.s32 $0x9C40;
	s21 =	simm.s32 $0xB040  }
0x8: {  	s23 =	simm.s32 $0xC440;
	s28 =	simm.s32 $0x3;
	s6 =	smul.u32 $0xA000, s3  }
0x9: {  	s29 =	simm.s32 $0x5;
	s30 =	simm.s32 $0x4;
	s25 =	smul.u32 $0x9C4, s3  }
0xa: {  	s31 =	simm.s32 $0x6;
	s7 =	sand.u32 $0x1, s4;
	s10 =	smul.u32 $0x28000, s3  }
0xb: {  	s22 =	simm.s32 $0x0;
	[smem:$0x7FF] =	sst s5;
	s4 =	smul.u32 $0xA0000, s7  }
0xc: {  	_ =	strace $0x8000004A;
	s8 =	ssub.s32 $0x2, s7;
	s11 =	smul.u32 $0x13880, s7  }
0xd: {  	s9 =	sshrl.u32 s8, $0x1;
	s5 =	sadd.s32 s25, s1;
	s26 =	sshrl.u32 s10, $0x2  }
0xe: {  	s4 =	sadd.s32 s6, s4;
	s13 =	ssub.s32 s8, s9;
	s6 =	sadd.s32 s6, s2  }
0xf: {  	s10 =	sadd.s32 s26, s2;
	s11 =	sadd.s32 s0, s11;
	s26 =	simm.s32 $0xD840  }
0x10: {  	s0 =	simm.s32 $0x7;
	s4 =	sshrl.u32 s4, $0x3;
	s7 =	sadd.s32 $0x2000, s10  }
0x11: {  	s8 =	sadd.s32 $0x4000, s10;
	s9 =	sadd.s32 $0x6000, s10;
	s10 =	sadd.s32 $0x8000, s10  }
0x12: {  	s13 =	smax.u32 s13, $0x1;
	s1 =	sadd.s32 s4, s1;
	s4 =	sadd.s32 $0xE00, s5  }
0x13: {  	v0 =	vimm.f32 $0.0e+00;
	s5 =	sadd.s32 $0xAC00, s5;
	s12 =	sadd.s32 $0x62C00, s1;
	s1 =	simm.s32 $0x8  }
.LBB2_1:
0x14: {  	s3 =	simm.s32 $0x0  }
0x15: {  	[tilespmem:s3], [sflag:$0x1] =	stream.linear.gather [hbm4b:s4+s3], $0x4E20, $0x38;
	[tilespmem:$0x1AC40] =	vst v63  }
0x16: {  	s25 =	simm.s32 $0x100;
	s24 =	simm.s32 $0x0  }
0x17: {  	[tilespmem:s14], [sflag:$0x2] =	stream.linear.gather [hbm4b:s5+s3], $0x4E20, $0x38;
	[tilespmem:$0x1AC40] =	vst v63  }
.LBB2_2:
0x18: {  	p0 =	sne.s32 s25, $0x7F00;
	[tilespmem:s24+$0xEC70] =	vst v0;
	s3 =	smov.u32 s25;
	s25 =	sadd.s32 $0x100, s25  }
.Ltmp0:
0x19: {  	[tilespmem:s24+$0xEC60] =	vst v0;
	(pc) =	sbr.rel @p0 .LBB2_2-.Ltmp0, $3  }
0x1a: {  	[tilespmem:s24+$0xEC40] =	vst v0  }
0x1b: {  	[tilespmem:s24+$0xEC50] =	vst v0;
	_ =	sdelay $0x1  }
0x1c: {  	s24 =	sshra.s32 s3, $0x2  }
0x1d: {  	[tilespmem:s24+$0xEC70] =	vst v0  }
0x1e: {  	[tilespmem:s24+$0xEC60] =	vst v0  }
0x1f: {  	[tilespmem:s24+$0xEC40] =	vst v0  }
0x20: {  	[tilespmem:s24+$0xEC50] =	vst v0  }
0x21: {  	[spmem:s6] =	stream.linear.scatter [tilespmem:s15], [sflag:$0x9], $0x2000, $0x38;
	[tilespmem:$0x1AC40] =	vst v63  }
0x22: {  	_ =	swait.ge [sflag:s16], $0x2000  }
0x23: {  	[sflag:s16] =	ssyncset.done $0x0  }
0x24: {  	[sflag:s16] =	ssyncadd.s32 $0xFFFFE000  }
0x25: {  	[spmem:s7] =	stream.linear.scatter [tilespmem:s15], [sflag:$0x9], $0x2000, $0x38;
	[tilespmem:$0x1AC40] =	vst v63  }
0x26: {  	_ =	swait.ge [sflag:s16], $0x2000  }
0x27: {  	[sflag:s16] =	ssyncset.done $0x0  }
0x28: {  	[sflag:s16] =	ssyncadd.s32 $0xFFFFE000  }
0x29: {  	[spmem:s8] =	stream.linear.scatter [tilespmem:s15], [sflag:$0x9], $0x2000, $0x38;
	[tilespmem:$0x1AC40] =	vst v63  }
0x2a: {  	_ =	swait.ge [sflag:s16], $0x2000  }
0x2b: {  	[sflag:s16] =	ssyncset.done $0x0  }
0x2c: {  	[sflag:s16] =	ssyncadd.s32 $0xFFFFE000  }
0x2d: {  	[spmem:s9] =	stream.linear.scatter [tilespmem:s15], [sflag:$0x9], $0x2000, $0x38;
	[tilespmem:$0x1AC40] =	vst v63  }
0x2e: {  	_ =	swait.ge [sflag:s16], $0x2000  }
0x2f: {  	[sflag:s16] =	ssyncset.done $0x0  }
0x30: {  	[sflag:s16] =	ssyncadd.s32 $0xFFFFE000  }
0x31: {  	[spmem:s10] =	stream.linear.scatter [tilespmem:s15], [sflag:$0x9], $0x2000, $0x38;
	[tilespmem:$0x1AC40] =	vst v63  }
0x32: {  	_ =	swait.ge [sflag:s16], $0x2000  }
0x33: {  	[sflag:s16] =	ssyncset.done $0x0  }
0x34: {  	[sflag:s16] =	ssyncadd.s32 $0xFFFFE000  }
0x35: {  	_ =	swait.ge [sflag:s17], $0x4E20  }
0x36: {  	[sflag:s17] =	ssyncset.done $0x0  }
0x37: {  	[sflag:s17] =	ssyncadd.s32 $0xFFFFB1E0  }
0x38: {  	_ =	swait.ge [sflag:s18], $0x4E20  }
0x39: {  	[sflag:s18] =	ssyncset.done $0x0  }
0x3a: {  	[sflag:s18] =	ssyncadd.s32 $0xFFFFB1E0  }
0x3b: {  	s3 =	simm.s32 $0x0;
	[bflag:$0x0] =	sbarrier.arrive $0xFFFF  }
0x3c: {  	[tilespmem:s20], [sflag:$0x1] =	stream.indirect.gather [hbm4b:s11+s19], $0x40, s3, s19, $0xb8;
	[tilespmem:$0x1AC40] =	vst v63  }
0x3d: {  	_ = 	snop  }
0x3e: {  	[tilespmem:s21], [sflag:$0x2] =	stream.indirect.gather [hbm4b:s11+s19], $0x40, s19, s19, $0xb8;
	[tilespmem:$0x1AC40] =	vst v63  }
0x3f: {  	_ =	swait.ge [sflag:s17], $0x1400  }
0x40: {  	[sflag:s17] =	ssyncset.done $0x0  }
0x41: {  	[sflag:s17] =	ssyncadd.s32 $0xFFFFEC00  }
0x42: {  	[spmem:s2] =	stream.indirect.scatter.add.f32 [tilespmem:s20], [sflag:$0x5], $0x40, s14, s19, $0xb8;
	[tilespmem:$0x1AC40] =	vst v63  }
0x43: {  	s24 =	simm.s32 $0xA0  }
0x44: {  	[tilespmem:s23], [sflag:$0x3] =	stream.indirect.gather [hbm4b:s11+s19], $0x40, s24, s19, $0xb8;
	[tilespmem:$0x1AC40] =	vst v63  }
0x45: {  	_ =	swait.ge [sflag:s18], $0x1400  }
0x46: {  	[sflag:s18] =	ssyncset.done $0x0  }
0x47: {  	s25 =	simm.s32 $0x4E70;
	[sflag:s18] =	ssyncadd.s32 $0xFFFFEC00  }
0x48: {  	[spmem:s2] =	stream.indirect.scatter.add.f32 [tilespmem:s21], [sflag:$0x6], $0x40, s25, s19, $0xb8;
	[tilespmem:$0x1AC40] =	vst v63  }
0x49: {  	s24 =	simm.s32 $0xF0  }
0x4a: {  	[tilespmem:s26], [sflag:$0x4] =	stream.indirect.gather [hbm4b:s11+s19], $0x40, s24, s19, $0xb8;
	[tilespmem:$0x1AC40] =	vst v63  }
0x4b: {  	_ =	swait.ge [sflag:s28], $0x1400  }
0x4c: {  	[sflag:s28] =	ssyncset.done $0x0  }
0x4d: {  	s25 =	simm.s32 $0x4EC0;
	[sflag:s28] =	ssyncadd.s32 $0xFFFFEC00  }
0x4e: {  	[spmem:s2] =	stream.indirect.scatter.add.f32 [tilespmem:s23], [sflag:$0x7], $0x40, s25, s19, $0xb8;
	[tilespmem:$0x1AC40] =	vst v63  }
0x4f: {  	_ =	swait.ge [sflag:s29], $0x1400  }
0x50: {  	[sflag:s29] =	ssyncset.done $0x0  }
0x51: {  	s24 =	simm.s32 $0x140;
	[sflag:s29] =	ssyncadd.s32 $0xFFFFEC00  }
0x52: {  	[tilespmem:s20], [sflag:$0x1] =	stream.indirect.gather [hbm4b:s11+s19], $0x40, s24, s19, $0xb8;
	[tilespmem:$0x1AC40] =	vst v63  }
0x53: {  	_ =	swait.ge [sflag:s30], $0x1400  }
0x54: {  	[sflag:s30] =	ssyncset.done $0x0  }
0x55: {  	s25 =	simm.s32 $0x4F10;
	[sflag:s30] =	ssyncadd.s32 $0xFFFFEC00  }
0x56: {  	[spmem:s2] =	stream.indirect.scatter.add.f32 [tilespmem:s26], [sflag:$0x8], $0x40, s25, s19, $0xb8;
	[tilespmem:$0x1AC40] =	vst v63  }
0x57: {  	_ =	swait.ge [sflag:s31], $0x1400  }
0x58: {  	[sflag:s31] =	ssyncset.done $0x0  }
0x59: {  	s24 =	simm.s32 $0x190;
	[sflag:s31] =	ssyncadd.s32 $0xFFFFEC00  }
0x5a: {  	[tilespmem:s21], [sflag:$0x2] =	stream.indirect.gather [hbm4b:s11+s19], $0x40, s24, s19, $0xb8;
	[tilespmem:$0x1AC40] =	vst v63  }
0x5b: {  	_ =	swait.ge [sflag:s17], $0x1400  }
0x5c: {  	[sflag:s17] =	ssyncset.done $0x0  }
0x5d: {  	s25 =	simm.s32 $0x4F60;
	[sflag:s17] =	ssyncadd.s32 $0xFFFFEC00  }
0x5e: {  	[spmem:s2] =	stream.indirect.scatter.add.f32 [tilespmem:s20], [sflag:$0x5], $0x40, s25, s19, $0xb8;
	[tilespmem:$0x1AC40] =	vst v63  }
0x5f: {  	_ =	swait.ge [sflag:s0], $0x1400  }
0x60: {  	[sflag:s0] =	ssyncset.done $0x0  }
0x61: {  	s24 =	simm.s32 $0x1E0;
	[sflag:s0] =	ssyncadd.s32 $0xFFFFEC00  }
0x62: {  	[tilespmem:s23], [sflag:$0x3] =	stream.indirect.gather [hbm4b:s11+s19], $0x40, s24, s19, $0xb8;
	[tilespmem:$0x1AC40] =	vst v63  }
0x63: {  	_ =	swait.ge [sflag:s18], $0x1400  }
0x64: {  	[sflag:s18] =	ssyncset.done $0x0  }
0x65: {  	s25 =	simm.s32 $0x4FB0;
	[sflag:s18] =	ssyncadd.s32 $0xFFFFEC00  }
0x66: {  	[spmem:s2] =	stream.indirect.scatter.add.f32 [tilespmem:s21], [sflag:$0x6], $0x40, s25, s19, $0xb8;
	[tilespmem:$0x1AC40] =	vst v63  }
0x67: {  	_ =	swait.ge [sflag:s1], $0x1400  }
0x68: {  	[sflag:s1] =	ssyncset.done $0x0  }
0x69: {  	s24 =	simm.s32 $0x500;
	s25 =	simm.s32 $0x230;
	[sflag:s1] =	ssyncadd.s32 $0xFFFFEC00  }
.LBB2_4:
0x6a: {  	[tilespmem:s26], [sflag:$0x4] =	stream.indirect.gather [hbm4b:s11+s19], $0x40, s25, s19, $0xb8;
	[tilespmem:$0x1AC40] =	vst v63  }
0x6b: {  	s3 =	smov.u32 s24  }
0x6c: {  	p0 =	sne.s32 s24, $0x12C00;
	s24 =	sadd.s32 $0x500, s24;
	_ =	swait.ge [sflag:s28], $0x1400  }
0x6d: {  	s25 =	sshra.s32 s3, $0x2;
	[sflag:s28] =	ssyncset.done $0x0  }
0x6e: {  	s3 =	sadd.s32 $0x4EC0, s25;
	[sflag:s28] =	ssyncadd.s32 $0xFFFFEC00  }
0x6f: {  	[spmem:s2] =	stream.indirect.scatter.add.f32 [tilespmem:s23], [sflag:$0x7], $0x40, s3, s19, $0xb8;
	[tilespmem:$0x1AC40] =	vst v63  }
0x70: {  	_ =	swait.ge [sflag:s29], $0x1400  }
0x71: {  	[sflag:s29] =	ssyncset.done $0x0  }
0x72: {  	s3 =	sadd.s32 $0x140, s25;
	[sflag:s29] =	ssyncadd.s32 $0xFFFFEC00  }
0x73: {  	[tilespmem:s20], [sflag:$0x1] =	stream.indirect.gather [hbm4b:s11+s19], $0x40, s3, s19, $0xb8;
	[tilespmem:$0x1AC40] =	vst v63  }
0x74: {  	_ =	swait.ge [sflag:s30], $0x1400  }
0x75: {  	[sflag:s30] =	ssyncset.done $0x0  }
0x76: {  	s3 =	sadd.s32 $0x4F10, s25;
	[sflag:s30] =	ssyncadd.s32 $0xFFFFEC00  }
0x77: {  	[spmem:s2] =	stream.indirect.scatter.add.f32 [tilespmem:s26], [sflag:$0x8], $0x40, s3, s19, $0xb8;
	[tilespmem:$0x1AC40] =	vst v63  }
0x78: {  	_ =	swait.ge [sflag:s31], $0x1400  }
0x79: {  	[sflag:s31] =	ssyncset.done $0x0  }
0x7a: {  	s3 =	sadd.s32 $0x190, s25;
	[sflag:s31] =	ssyncadd.s32 $0xFFFFEC00  }
0x7b: {  	[tilespmem:s21], [sflag:$0x2] =	stream.indirect.gather [hbm4b:s11+s19], $0x40, s3, s19, $0xb8;
	[tilespmem:$0x1AC40] =	vst v63  }
0x7c: {  	_ =	swait.ge [sflag:s17], $0x1400  }
0x7d: {  	[sflag:s17] =	ssyncset.done $0x0  }
0x7e: {  	s3 =	sadd.s32 $0x4F60, s25;
	[sflag:s17] =	ssyncadd.s32 $0xFFFFEC00  }
0x7f: {  	[spmem:s2] =	stream.indirect.scatter.add.f32 [tilespmem:s20], [sflag:$0x5], $0x40, s3, s19, $0xb8;
	[tilespmem:$0x1AC40] =	vst v63  }
0x80: {  	_ =	swait.ge [sflag:s0], $0x1400  }
0x81: {  	[sflag:s0] =	ssyncset.done $0x0  }
0x82: {  	s3 =	sadd.s32 $0x1E0, s25;
	[sflag:s0] =	ssyncadd.s32 $0xFFFFEC00  }
0x83: {  	[tilespmem:s23], [sflag:$0x3] =	stream.indirect.gather [hbm4b:s11+s19], $0x40, s3, s19, $0xb8;
	[tilespmem:$0x1AC40] =	vst v63  }
0x84: {  	_ =	swait.ge [sflag:s18], $0x1400  }
0x85: {  	[sflag:s18] =	ssyncset.done $0x0  }
.Ltmp1:
0x86: {  	s3 =	sadd.s32 $0x4FB0, s25;
	[sflag:s18] =	ssyncadd.s32 $0xFFFFEC00;
	(pc) =	sbr.rel @p0 .LBB2_4-.Ltmp1, $4  }
0x87: {  	[spmem:s2] =	stream.indirect.scatter.add.f32 [tilespmem:s21], [sflag:$0x6], $0x40, s3, s19, $0xb8;
	[tilespmem:$0x1AC40] =	vst v63  }
0x88: {  	_ =	swait.ge [sflag:s1], $0x1400  }
0x89: {  	[sflag:s1] =	ssyncset.done $0x0  }
0x8a: {  	s25 =	sadd.s32 $0x230, s25;
	[sflag:s1] =	ssyncadd.s32 $0xFFFFEC00  }
0x8b: {  	[tilespmem:s26], [sflag:$0x4] =	stream.indirect.gather [hbm4b:s11+s19], $0x40, s25, s19, $0xb8;
	[tilespmem:$0x1AC40] =	vst v63  }
0x8c: {  	_ =	swait.ge [sflag:s28], $0x1400  }
0x8d: {  	[sflag:s28] =	ssyncset.done $0x0  }
0x8e: {  	s3 =	simm.s32 $0x9B00;
	[sflag:s28] =	ssyncadd.s32 $0xFFFFEC00  }
0x8f: {  	[spmem:s2] =	stream.indirect.scatter.add.f32 [tilespmem:s23], [sflag:$0x7], $0x40, s3, s19, $0xb8;
	[tilespmem:$0x1AC40] =	vst v63  }
0x90: {  	_ =	swait.ge [sflag:s29], $0x1400  }
0x91: {  	[sflag:s29] =	ssyncset.done $0x0  }
0x92: {  	s24 =	simm.s32 $0x4D80;
	[sflag:s29] =	ssyncadd.s32 $0xFFFFEC00  }
0x93: {  	[tilespmem:s20], [sflag:$0x1] =	stream.indirect.gather [hbm4b:s11+s19], $0x40, s24, s19, $0xb8;
	[tilespmem:$0x1AC40] =	vst v63  }
0x94: {  	_ =	swait.ge [sflag:s30], $0x1400  }
0x95: {  	[sflag:s30] =	ssyncset.done $0x0  }
0x96: {  	s25 =	simm.s32 $0x9B50;
	[sflag:s30] =	ssyncadd.s32 $0xFFFFEC00  }
0x97: {  	[spmem:s2] =	stream.indirect.scatter.add.f32 [tilespmem:s26], [sflag:$0x8], $0x40, s25, s19, $0xb8;
	[tilespmem:$0x1AC40] =	vst v63  }
0x98: {  	_ =	swait.ge [sflag:s31], $0x1400  }
0x99: {  	[sflag:s31] =	ssyncset.done $0x0  }
0x9a: {  	s24 =	simm.s32 $0x4DD0;
	[sflag:s31] =	ssyncadd.s32 $0xFFFFEC00  }
0x9b: {  	[tilespmem:s21], [sflag:$0x2] =	stream.indirect.gather [hbm4b:s11+s19], $0x40, s24, s19, $0xb8;
	[tilespmem:$0x1AC40] =	vst v63  }
0x9c: {  	_ =	swait.ge [sflag:s17], $0x1400  }
0x9d: {  	[sflag:s17] =	ssyncset.done $0x0  }
0x9e: {  	s25 =	simm.s32 $0x9BA0;
	[sflag:s17] =	ssyncadd.s32 $0xFFFFEC00  }
0x9f: {  	[spmem:s2] =	stream.indirect.scatter.add.f32 [tilespmem:s20], [sflag:$0x5], $0x40, s25, s19, $0xb8;
	[tilespmem:$0x1AC40] =	vst v63  }
0xa0: {  	_ =	swait.ge [sflag:s0], $0x1400  }
0xa1: {  	[sflag:s0] =	ssyncset.done $0x0  }
0xa2: {  	[sflag:s0] =	ssyncadd.s32 $0xFFFFEC00  }
0xa3: {  	_ =	swait.ge [sflag:s18], $0x1400  }
0xa4: {  	[sflag:s18] =	ssyncset.done $0x0  }
0xa5: {  	s24 =	simm.s32 $0x9BF0;
	[sflag:s18] =	ssyncadd.s32 $0xFFFFEC00  }
0xa6: {  	[spmem:s2] =	stream.indirect.scatter.add.f32 [tilespmem:s21], [sflag:$0x6], $0x40, s24, s19, $0xb8;
	[tilespmem:$0x1AC40] =	vst v63  }
0xa7: {  	_ =	swait.ge [sflag:s1], $0x1400  }
0xa8: {  	[sflag:s1] =	ssyncset.done $0x0  }
0xa9: {  	[sflag:s1] =	ssyncadd.s32 $0xFFFFEC00  }
0xaa: {  	_ =	swait.ge [sflag:s29], $0x1400  }
0xab: {  	[sflag:s29] =	ssyncset.done $0x0  }
0xac: {  	[sflag:s29] =	ssyncadd.s32 $0xFFFFEC00  }
0xad: {  	s25 =	stileid.u32;
	_ =	swait.ge [sflag:s31], $0x1400  }
0xae: {  	s22 =	sadd.s32 $0x1, s22;
	s3 =	sshll.u32 s25, $0x6;
	[sflag:s31] =	ssyncset.done $0x0  }
0xaf: {  	p0 =	sne.s32 s22, s13;
	s3 =	sor.u32 $0x1C09, s3;
	[sflag:s31] =	ssyncadd.s32 $0xFFFFEC00  }
.Ltmp2:
0xb0: {  	s24 =	sshrl.u32 s6, $0x3;
	[bflag:$0x0] =	sbarrier.arrive $0xFFFF;
	(pc) =	sbr.rel @p0 .LBB2_1-.Ltmp2, $4  }
0xb1: {  	[hbm:s12], [sflag:s3] =	dma.local [spmem:s24], $0x1400  }
0xb2: {  	_ =	swait.ge [sflag:s16], $0x1400  }
0xb3: {  	[sflag:s16] =	ssyncset.done $0x0  }
0xb4: {  	[sflag:s16] =	ssyncadd.s32 $0xFFFFEC00  }
0xb5: {  	_ =	sfence.sel $0x180000  }
0xb6: {  	[bflag:$0x0] =	sbarrier.arrive $0xFFFF  }
0xb7: {  	_ =	strace $0x9000004A  }
0xb8: {  	s0 =	stileid.u32;
	[bflag:$0x2] =	sbarrier.arrive $0xFFFF  }
0xb9: {  	p0 =	sne.s32 s0, $0x0;
	s0 =	rddreg [dreg:$0x3]  }
0xba: {  	s0 =	sadd.s32 @!p0 $0x100000, s0  }
0xbb: {  	[sflag:s0] =	ssyncadd.tile.s32 @!p0 $0x1;
	_ =	shalt  }
.Lfunc_end2:
_tile_overlayer_lowered:
.L_overlay_start_2:
0xbc: {  	(tag) =	ssettag $0x2  }
0xbd: {  	s0 =	rddreg [dreg:$0x0];
	s2 =	stileid.u32  }
0xbe: {  	s1 =	rddreg [dreg:$0x1];
	p0 =	sne.s32 s2, $0x0  }
0xbf: {  	s3 =	rddreg [dreg:$0x2];
	[bflag:$0x3] =	sbarrier.arrive $0xFFFF;
	s2 =	simm.s32 @!p0 $0x1C09  }
0xc0: {  	[timem:s3], [sflag:s2] =	dma.local @!p0 [hbm:s0], s1  }
0xc1: {  	s0 =	simm.s32 @!p0 $0x9  }
0xc2: {  	_ =	swait.ge @!p0 [sflag:s0], s1  }
0xc3: {  	s1 =	ssub.s32 @!p0 $0x0, s1;
	[sflag:s0] =	ssyncset.done @!p0 $0x0  }
0xc4: {  	[sflag:s0] =	ssyncadd.s32 @!p0 s1  }
0xc5: {  	[bflag:$0x3] =	sbarrier.arrive $0xFFFF  }
0xc6: {  	_ =	shalt  }

</sc_bundles>
